<compile_context>
chip_gen: v7x
topology: tpu7x:2x2x1
jax: 0.10.2.dev20260603
libtpu: 0.0.44.dev20260713+nightly
codegen_flags: <defaults>
</compile_context>

<pallas_src>
import functools

import jax
import jax.numpy as jnp
import numpy as np
from jax import lax
from jax.experimental import pallas as pl
from jax.experimental.pallas import tpu as pltpu
from jax.experimental.pallas import tpu_sc as plsc

_ALPHABET = 1024
_BATCH = 16384
_R = 1024
_A = 4096
_NBLK_LO = _A // _R
_NBLK_HI = (_BATCH - _A) // _R

_K0 = np.uint32(0)
_K1 = np.uint32(42)
_K2 = np.uint32(0x1BD11BDA) ^ _K0 ^ _K1
_ROTS = ((13, 15, 26, 6), (17, 29, 16, 24))


def _rotl(x, d):
    return (x << np.uint32(d)) | (x >> np.uint32(32 - d))


def _threefry2x32_zero_hi(lin):
    ks = (_K0, _K1, _K2)
    x1 = lin + ks[1]
    x0 = x1
    x1 = x0 ^ _rotl(x1, _ROTS[0][0])
    for r in _ROTS[0][1:]:
        x0 = x0 + x1
        x1 = _rotl(x1, r)
        x1 = x0 ^ x1
    x0 = x0 + ks[1]
    x1 = x1 + ks[2] + np.uint32(1)
    for i in range(1, 5):
        for r in _ROTS[i % 2]:
            x0 = x0 + x1
            x1 = _rotl(x1, r)
            x1 = x0 ^ x1
        x0 = x0 + ks[(i + 1) % 3]
        x1 = x1 + ks[(i + 2) % 3] + np.uint32(i + 1)
    return x0, x1


def _bits_to_gumbel(bits):
    fb = (bits >> np.uint32(9)) | np.uint32(0x3F800000)
    u = lax.bitcast_convert_type(fb, jnp.float32) - jnp.float32(1.0)
    u = u + jnp.float32(1e-10)
    return -jnp.log(-jnp.log(u))


_NW = 32
_RPW = _A // _NW
_CH = 8
_NCHUNK = _RPW // _CH
_VPC = _CH * _ALPHABET // 16


def _sc_bits_body(out_hbm, buf):
    wid = lax.axis_index("s") * 2 + lax.axis_index("c")
    base = wid * (_RPW * _ALPHABET)
    lane = lax.iota(jnp.uint32, 16)

    def chunk(ci, carry):
        chunk_base = base + ci * (_CH * _ALPHABET)

        def vec(j, carry2):
            b = jnp.uint32(chunk_base + j * 32)
            b0a, b1a = _threefry2x32_zero_hi(b + lane)
            b0b, b1b = _threefry2x32_zero_hi(b + np.uint32(16) + lane)
            buf[pl.ds(j * 32, 16)] = b0a ^ b1a
            buf[pl.ds(j * 32 + 16, 16)] = b0b ^ b1b
            return carry2

        lax.fori_loop(0, _VPC // 2, vec, 0)
        pltpu.sync_copy(buf, out_hbm.at[pl.ds(chunk_base, _CH * _ALPHABET)])
        return carry

    lax.fori_loop(0, _NCHUNK, chunk, 0)


_sc_bits = functools.partial(
    pl.kernel,
    out_type=jax.ShapeDtypeStruct((_A * _ALPHABET,), jnp.uint32),
    mesh=plsc.VectorSubcoreMesh(core_axis_name="c", subcore_axis_name="s"),
    scratch_types=[pltpu.VMEM((_CH * _ALPHABET,), jnp.uint32)],
)(_sc_bits_body)



def _onehot_rows(idx, table_ref):
    col = lax.broadcasted_iota(jnp.int32, (_R, _ALPHABET), 1)
    oh = jnp.where(idx[:, None] == col,
                   jnp.float32(1), jnp.float32(0)).astype(jnp.bfloat16)
    dn = (((1,), (0,)), ((), ()))
    return lax.dot_general(oh, table_ref[...], dn,
                           preferred_element_type=jnp.float32)


def _softmax_store(rows, g, out_ref):
    e = jnp.exp(rows + g)
    s = jnp.sum(e, axis=1, keepdims=True)
    out_ref[...] = e * (jnp.float32(1.0) / s)


def _tc_rng_body(idx_ref, table_ref, lin_ref, out_ref):
    i = pl.program_id(0)
    rows = _onehot_rows(idx_ref[0, 0], table_ref)
    base = jnp.uint32((i + _NBLK_LO) * (_R * _ALPHABET))
    b0, b1 = _threefry2x32_zero_hi(lin_ref[...] + base)
    _softmax_store(rows, _bits_to_gumbel(b0 ^ b1), out_ref)


def _tc_bits_body(full_ref, idx_ref, table_ref, bits_ref, out_ref):
    del full_ref
    rows = _onehot_rows(idx_ref[0, 0], table_ref)
    _softmax_store(rows, _bits_to_gumbel(bits_ref[...]), out_ref)


_LIN0 = np.uint32(_ALPHABET) * np.arange(_R, dtype=np.uint32)[:, None] \
    + np.arange(_ALPHABET, dtype=np.uint32)[None, :]


def kernel(src_code, logits):
    table_bf = logits.astype(jnp.bfloat16)
    idx3 = src_code.reshape(_BATCH // _R, 1, _R)

    bits = _sc_bits().reshape(_A, _ALPHABET)

    y_full = pl.pallas_call(
        _tc_rng_body,
        grid=(_NBLK_HI,),
        in_specs=[
            pl.BlockSpec((1, 1, _R), lambda i: (i + _NBLK_LO, 0, 0)),
            pl.BlockSpec((_ALPHABET, _ALPHABET), lambda i: (0, 0)),
            pl.BlockSpec((_R, _ALPHABET), lambda i: (0, 0)),
        ],
        out_specs=pl.BlockSpec((_R, _ALPHABET), lambda i: (i + _NBLK_LO, 0)),
        out_shape=jax.ShapeDtypeStruct((_BATCH, _ALPHABET), jnp.float32),
    )(idx3, table_bf, jnp.asarray(_LIN0))

    y = pl.pallas_call(
        _tc_bits_body,
        grid=(_NBLK_LO,),
        in_specs=[
            pl.BlockSpec(memory_space=pl.ANY),
            pl.BlockSpec((1, 1, _R), lambda i: (i, 0, 0)),
            pl.BlockSpec((_ALPHABET, _ALPHABET), lambda i: (0, 0)),
            pl.BlockSpec((_R, _ALPHABET), lambda i: (i, 0)),
        ],
        out_specs=pl.BlockSpec((_R, _ALPHABET), lambda i: (i, 0)),
        out_shape=jax.ShapeDtypeStruct((_BATCH, _ALPHABET), jnp.float32),
        input_output_aliases={0: 0},
    )(y_full, idx3, table_bf, bits)

    return y

# --- scband reference (transcript-rebuilt; emitter-appended) ---
"""Pipeline reference for scband-transducer-47356309405807 (READ-ONLY COPY).

The authoritative reference and input builder live on the scoring server;
editing this copy changes nothing except your own understanding.
"""

import jax, jax.numpy as jnp
import numpy as np

ALPHABET_SIZE = 1024
BATCH = 16384
INIT_SCALE = 0.1
TAU = 1.0


def setup_inputs(seed: int = 0) -> dict:
    key = jax.random.key(seed)
    k_idx, k_logits = jax.random.split(key)
    src_code = jax.random.randint(k_idx, (BATCH,), 0, ALPHABET_SIZE, dtype=jnp.int64 if jax.config.jax_enable_x64 else jnp.int32)
    logits = jax.random.normal(k_logits, (ALPHABET_SIZE, ALPHABET_SIZE), dtype=jnp.float32) * INIT_SCALE
    return {"src_code": src_code, "logits": logits}


def _sample_gumbel(shape):
    # Deterministic gumbel noise, matching F.gumbel_softmax's -log(-log(U)) sampling.
    k = jax.random.key(42)
    u = jax.random.uniform(k, shape, dtype=jnp.float32, minval=1e-10, maxval=1.0)
    return -jnp.log(-jnp.log(u))


def reference(src_code, logits):
    # row_logits = self.logits[src_code]  (embedding-style gather)
    row_logits = jnp.take(logits, src_code, axis=0)
    g = _sample_gumbel(row_logits.shape)
    # gating == GUMBEL_SOFTMAX, hard=None -> soft path: differentiable distribution
    y = jax.nn.softmax((row_logits + g) / TAU, axis=-1)
    return y

if __name__ == "__main__":
    import jax
    _d = setup_inputs()
    print(jax.jit(kernel)(*tuple(_d.values())))

</pallas_src>

<mosaic_0001>
#map = affine_map<(d0, d1) -> (0)>
module attributes {stable_mosaic.version = 14 : i64} {
  func.func @_sc_bits_body(%arg0: i32, %arg1: i32, %arg2: memref<4194304xi32, #tpu.memory_space<hbm>>, %arg3: memref<8192xi32, #tpu.memory_space<vmem>>) attributes {dimension_semantics = [#tpu.dimension_semantics<core_parallel>, #tpu.dimension_semantics<subcore_parallel>], iteration_bounds = array<i64: 2, 16>, scalar_prefetch = 0 : i64, scratch_operands = 1 : i64, tpu.core_type = #tpu.core_type<sc_vector_subcore>, window_params = [{transform_indices = #map}]} {
    %mul3A = arith.constant 2 : i32
    %mul3A_0 = arith.muli %arg1, %mul3A : i32
    %add3A = arith.addi %mul3A_0, %arg0 : i32
    %mul3A_1 = arith.constant 131072 : i32
    %mul3A_2 = arith.muli %add3A, %mul3A_1 : i32
    %iota3A = tpu.iota {dimensions = array<i32: 0>} : vector<16xi32>
    %scan3A = arith.constant 0 : i32
    %scan3A_3 = arith.constant 0 : i32
    %scan3A_4 = arith.constant 16 : i32
    %scan3A_5 = arith.addi %scan3A_3, %scan3A_4 : i32
    %scan3A_6 = arith.constant 1 : i32
    scf.for %scan3A_8 = %scan3A_3 to %scan3A_5 step %scan3A_6  : i32 {
      %mul3A_9 = arith.constant 8192 : i32
      %mul3A_10 = arith.muli %scan3A_8, %mul3A_9 : i32
      %add3A_11 = arith.addi %mul3A_2, %mul3A_10 : i32
      %scan3A_12 = arith.constant 0 : i32
      %scan3A_13 = arith.constant 0 : i32
      %scan3A_14 = arith.constant 256 : i32
      %scan3A_15 = arith.addi %scan3A_13, %scan3A_14 : i32
      %scan3A_16 = arith.constant 1 : i32
      scf.for %scan3A_18 = %scan3A_13 to %scan3A_15 step %scan3A_16  : i32 {
        %mul3A_19 = arith.constant 32 : i32
        %mul3A_20 = arith.muli %scan3A_18, %mul3A_19 : i32
        %add3A_21 = arith.addi %add3A_11, %mul3A_20 : i32
        %add3A_22 = vector.broadcast %add3A_21 : i32 to vector<16xi32>
        %add3A_23 = arith.addi %add3A_22, %iota3A : vector<16xi32>
        %add3A_24 = arith.constant 42 : i32
        %add3A_25 = vector.broadcast %add3A_24 : i32 to vector<16xi32>
        %add3A_26 = arith.addi %add3A_23, %add3A_25 : vector<16xi32>
        %shift_left3A = arith.constant 13 : i32
        %shift_left3A_27 = vector.broadcast %shift_left3A : i32 to vector<16xi32>
        %shift_left3A_28 = arith.shli %add3A_26, %shift_left3A_27 : vector<16xi32>
        %shift_right_logical3A = arith.constant 19 : i32
        %shift_right_logical3A_29 = vector.broadcast %shift_right_logical3A : i32 to vector<16xi32>
        %shift_right_logical3A_30 = arith.shrui %add3A_26, %shift_right_logical3A_29 : vector<16xi32>
        %or3A = arith.ori %shift_left3A_28, %shift_right_logical3A_30 : vector<16xi32>
        %xor3A = arith.xori %add3A_26, %or3A : vector<16xi32>
        %add3A_31 = arith.addi %add3A_26, %xor3A : vector<16xi32>
        %shift_left3A_32 = arith.constant 15 : i32
        %shift_left3A_33 = vector.broadcast %shift_left3A_32 : i32 to vector<16xi32>
        %shift_left3A_34 = arith.shli %xor3A, %shift_left3A_33 : vector<16xi32>
        %shift_right_logical3A_35 = arith.constant 17 : i32
        %shift_right_logical3A_36 = vector.broadcast %shift_right_logical3A_35 : i32 to vector<16xi32>
        %shift_right_logical3A_37 = arith.shrui %xor3A, %shift_right_logical3A_36 : vector<16xi32>
        %or3A_38 = arith.ori %shift_left3A_34, %shift_right_logical3A_37 : vector<16xi32>
        %xor3A_39 = arith.xori %add3A_31, %or3A_38 : vector<16xi32>
        %add3A_40 = arith.addi %add3A_31, %xor3A_39 : vector<16xi32>
        %shift_left3A_41 = arith.constant 26 : i32
        %shift_left3A_42 = vector.broadcast %shift_left3A_41 : i32 to vector<16xi32>
        %shift_left3A_43 = arith.shli %xor3A_39, %shift_left3A_42 : vector<16xi32>
        %shift_right_logical3A_44 = arith.constant 6 : i32
        %shift_right_logical3A_45 = vector.broadcast %shift_right_logical3A_44 : i32 to vector<16xi32>
        %shift_right_logical3A_46 = arith.shrui %xor3A_39, %shift_right_logical3A_45 : vector<16xi32>
        %or3A_47 = arith.ori %shift_left3A_43, %shift_right_logical3A_46 : vector<16xi32>
        %xor3A_48 = arith.xori %add3A_40, %or3A_47 : vector<16xi32>
        %add3A_49 = arith.addi %add3A_40, %xor3A_48 : vector<16xi32>
        %shift_left3A_50 = arith.constant 6 : i32
        %shift_left3A_51 = vector.broadcast %shift_left3A_50 : i32 to vector<16xi32>
        %shift_left3A_52 = arith.shli %xor3A_48, %shift_left3A_51 : vector<16xi32>
        %shift_right_logical3A_53 = arith.constant 26 : i32
        %shift_right_logical3A_54 = vector.broadcast %shift_right_logical3A_53 : i32 to vector<16xi32>
        %shift_right_logical3A_55 = arith.shrui %xor3A_48, %shift_right_logical3A_54 : vector<16xi32>
        %or3A_56 = arith.ori %shift_left3A_52, %shift_right_logical3A_55 : vector<16xi32>
        %xor3A_57 = arith.xori %add3A_49, %or3A_56 : vector<16xi32>
        %add3A_58 = arith.constant 42 : i32
        %add3A_59 = vector.broadcast %add3A_58 : i32 to vector<16xi32>
        %add3A_60 = arith.addi %add3A_49, %add3A_59 : vector<16xi32>
        %add3A_61 = arith.constant 466689008 : i32
        %add3A_62 = vector.broadcast %add3A_61 : i32 to vector<16xi32>
        %add3A_63 = arith.addi %xor3A_57, %add3A_62 : vector<16xi32>
        %add3A_64 = arith.constant 1 : i32
        %add3A_65 = vector.broadcast %add3A_64 : i32 to vector<16xi32>
        %add3A_66 = arith.addi %add3A_63, %add3A_65 : vector<16xi32>
        %add3A_67 = arith.addi %add3A_60, %add3A_66 : vector<16xi32>
        %shift_left3A_68 = arith.constant 17 : i32
        %shift_left3A_69 = vector.broadcast %shift_left3A_68 : i32 to vector<16xi32>
        %shift_left3A_70 = arith.shli %add3A_66, %shift_left3A_69 : vector<16xi32>
        %shift_right_logical3A_71 = arith.constant 15 : i32
        %shift_right_logical3A_72 = vector.broadcast %shift_right_logical3A_71 : i32 to vector<16xi32>
        %shift_right_logical3A_73 = arith.shrui %add3A_66, %shift_right_logical3A_72 : vector<16xi32>
        %or3A_74 = arith.ori %shift_left3A_70, %shift_right_logical3A_73 : vector<16xi32>
        %xor3A_75 = arith.xori %add3A_67, %or3A_74 : vector<16xi32>
        %add3A_76 = arith.addi %add3A_67, %xor3A_75 : vector<16xi32>
        %shift_left3A_77 = arith.constant 29 : i32
        %shift_left3A_78 = vector.broadcast %shift_left3A_77 : i32 to vector<16xi32>
        %shift_left3A_79 = arith.shli %xor3A_75, %shift_left3A_78 : vector<16xi32>
        %shift_right_logical3A_80 = arith.constant 3 : i32
        %shift_right_logical3A_81 = vector.broadcast %shift_right_logical3A_80 : i32 to vector<16xi32>
        %shift_right_logical3A_82 = arith.shrui %xor3A_75, %shift_right_logical3A_81 : vector<16xi32>
        %or3A_83 = arith.ori %shift_left3A_79, %shift_right_logical3A_82 : vector<16xi32>
        %xor3A_84 = arith.xori %add3A_76, %or3A_83 : vector<16xi32>
        %add3A_85 = arith.addi %add3A_76, %xor3A_84 : vector<16xi32>
        %shift_left3A_86 = arith.constant 16 : i32
        %shift_left3A_87 = vector.broadcast %shift_left3A_86 : i32 to vector<16xi32>
        %shift_left3A_88 = arith.shli %xor3A_84, %shift_left3A_87 : vector<16xi32>
        %shift_right_logical3A_89 = arith.constant 16 : i32
        %shift_right_logical3A_90 = vector.broadcast %shift_right_logical3A_89 : i32 to vector<16xi32>
        %shift_right_logical3A_91 = arith.shrui %xor3A_84, %shift_right_logical3A_90 : vector<16xi32>
        %or3A_92 = arith.ori %shift_left3A_88, %shift_right_logical3A_91 : vector<16xi32>
        %xor3A_93 = arith.xori %add3A_85, %or3A_92 : vector<16xi32>
        %add3A_94 = arith.addi %add3A_85, %xor3A_93 : vector<16xi32>
        %shift_left3A_95 = arith.constant 24 : i32
        %shift_left3A_96 = vector.broadcast %shift_left3A_95 : i32 to vector<16xi32>
        %shift_left3A_97 = arith.shli %xor3A_93, %shift_left3A_96 : vector<16xi32>
        %shift_right_logical3A_98 = arith.constant 8 : i32
        %shift_right_logical3A_99 = vector.broadcast %shift_right_logical3A_98 : i32 to vector<16xi32>
        %shift_right_logical3A_100 = arith.shrui %xor3A_93, %shift_right_logical3A_99 : vector<16xi32>
        %or3A_101 = arith.ori %shift_left3A_97, %shift_right_logical3A_100 : vector<16xi32>
        %xor3A_102 = arith.xori %add3A_94, %or3A_101 : vector<16xi32>
        %add3A_103 = arith.constant 466689008 : i32
        %add3A_104 = vector.broadcast %add3A_103 : i32 to vector<16xi32>
        %add3A_105 = arith.addi %add3A_94, %add3A_104 : vector<16xi32>
        %add3A_106 = arith.constant 0 : i32
        %add3A_107 = vector.broadcast %add3A_106 : i32 to vector<16xi32>
        %add3A_108 = arith.addi %xor3A_102, %add3A_107 : vector<16xi32>
        %add3A_109 = arith.constant 2 : i32
        %add3A_110 = vector.broadcast %add3A_109 : i32 to vector<16xi32>
        %add3A_111 = arith.addi %add3A_108, %add3A_110 : vector<16xi32>
        %add3A_112 = arith.addi %add3A_105, %add3A_111 : vector<16xi32>
        %shift_left3A_113 = arith.constant 13 : i32
        %shift_left3A_114 = vector.broadcast %shift_left3A_113 : i32 to vector<16xi32>
        %shift_left3A_115 = arith.shli %add3A_111, %shift_left3A_114 : vector<16xi32>
        %shift_right_logical3A_116 = arith.constant 19 : i32
        %shift_right_logical3A_117 = vector.broadcast %shift_right_logical3A_116 : i32 to vector<16xi32>
        %shift_right_logical3A_118 = arith.shrui %add3A_111, %shift_right_logical3A_117 : vector<16xi32>
        %or3A_119 = arith.ori %shift_left3A_115, %shift_right_logical3A_118 : vector<16xi32>
        %xor3A_120 = arith.xori %add3A_112, %or3A_119 : vector<16xi32>
        %add3A_121 = arith.addi %add3A_112, %xor3A_120 : vector<16xi32>
        %shift_left3A_122 = arith.constant 15 : i32
        %shift_left3A_123 = vector.broadcast %shift_left3A_122 : i32 to vector<16xi32>
        %shift_left3A_124 = arith.shli %xor3A_120, %shift_left3A_123 : vector<16xi32>
        %shift_right_logical3A_125 = arith.constant 17 : i32
        %shift_right_logical3A_126 = vector.broadcast %shift_right_logical3A_125 : i32 to vector<16xi32>
        %shift_right_logical3A_127 = arith.shrui %xor3A_120, %shift_right_logical3A_126 : vector<16xi32>
        %or3A_128 = arith.ori %shift_left3A_124, %shift_right_logical3A_127 : vector<16xi32>
        %xor3A_129 = arith.xori %add3A_121, %or3A_128 : vector<16xi32>
        %add3A_130 = arith.addi %add3A_121, %xor3A_129 : vector<16xi32>
        %shift_left3A_131 = arith.constant 26 : i32
        %shift_left3A_132 = vector.broadcast %shift_left3A_131 : i32 to vector<16xi32>
        %shift_left3A_133 = arith.shli %xor3A_129, %shift_left3A_132 : vector<16xi32>
        %shift_right_logical3A_134 = arith.constant 6 : i32
        %shift_right_logical3A_135 = vector.broadcast %shift_right_logical3A_134 : i32 to vector<16xi32>
        %shift_right_logical3A_136 = arith.shrui %xor3A_129, %shift_right_logical3A_135 : vector<16xi32>
        %or3A_137 = arith.ori %shift_left3A_133, %shift_right_logical3A_136 : vector<16xi32>
        %xor3A_138 = arith.xori %add3A_130, %or3A_137 : vector<16xi32>
        %add3A_139 = arith.addi %add3A_130, %xor3A_138 : vector<16xi32>
        %shift_left3A_140 = arith.constant 6 : i32
        %shift_left3A_141 = vector.broadcast %shift_left3A_140 : i32 to vector<16xi32>
        %shift_left3A_142 = arith.shli %xor3A_138, %shift_left3A_141 : vector<16xi32>
        %shift_right_logical3A_143 = arith.constant 26 : i32
        %shift_right_logical3A_144 = vector.broadcast %shift_right_logical3A_143 : i32 to vector<16xi32>
        %shift_right_logical3A_145 = arith.shrui %xor3A_138, %shift_right_logical3A_144 : vector<16xi32>
        %or3A_146 = arith.ori %shift_left3A_142, %shift_right_logical3A_145 : vector<16xi32>
        %xor3A_147 = arith.xori %add3A_139, %or3A_146 : vector<16xi32>
        %add3A_148 = arith.constant 0 : i32
        %add3A_149 = vector.broadcast %add3A_148 : i32 to vector<16xi32>
        %add3A_150 = arith.addi %add3A_139, %add3A_149 : vector<16xi32>
        %add3A_151 = arith.constant 42 : i32
        %add3A_152 = vector.broadcast %add3A_151 : i32 to vector<16xi32>
        %add3A_153 = arith.addi %xor3A_147, %add3A_152 : vector<16xi32>
        %add3A_154 = arith.constant 3 : i32
        %add3A_155 = vector.broadcast %add3A_154 : i32 to vector<16xi32>
        %add3A_156 = arith.addi %add3A_153, %add3A_155 : vector<16xi32>
        %add3A_157 = arith.addi %add3A_150, %add3A_156 : vector<16xi32>
        %shift_left3A_158 = arith.constant 17 : i32
        %shift_left3A_159 = vector.broadcast %shift_left3A_158 : i32 to vector<16xi32>
        %shift_left3A_160 = arith.shli %add3A_156, %shift_left3A_159 : vector<16xi32>
        %shift_right_logical3A_161 = arith.constant 15 : i32
        %shift_right_logical3A_162 = vector.broadcast %shift_right_logical3A_161 : i32 to vector<16xi32>
        %shift_right_logical3A_163 = arith.shrui %add3A_156, %shift_right_logical3A_162 : vector<16xi32>
        %or3A_164 = arith.ori %shift_left3A_160, %shift_right_logical3A_163 : vector<16xi32>
        %xor3A_165 = arith.xori %add3A_157, %or3A_164 : vector<16xi32>
        %add3A_166 = arith.addi %add3A_157, %xor3A_165 : vector<16xi32>
        %shift_left3A_167 = arith.constant 29 : i32
        %shift_left3A_168 = vector.broadcast %shift_left3A_167 : i32 to vector<16xi32>
        %shift_left3A_169 = arith.shli %xor3A_165, %shift_left3A_168 : vector<16xi32>
        %shift_right_logical3A_170 = arith.constant 3 : i32
        %shift_right_logical3A_171 = vector.broadcast %shift_right_logical3A_170 : i32 to vector<16xi32>
        %shift_right_logical3A_172 = arith.shrui %xor3A_165, %shift_right_logical3A_171 : vector<16xi32>
        %or3A_173 = arith.ori %shift_left3A_169, %shift_right_logical3A_172 : vector<16xi32>
        %xor3A_174 = arith.xori %add3A_166, %or3A_173 : vector<16xi32>
        %add3A_175 = arith.addi %add3A_166, %xor3A_174 : vector<16xi32>
        %shift_left3A_176 = arith.constant 16 : i32
        %shift_left3A_177 = vector.broadcast %shift_left3A_176 : i32 to vector<16xi32>
        %shift_left3A_178 = arith.shli %xor3A_174, %shift_left3A_177 : vector<16xi32>
        %shift_right_logical3A_179 = arith.constant 16 : i32
        %shift_right_logical3A_180 = vector.broadcast %shift_right_logical3A_179 : i32 to vector<16xi32>
        %shift_right_logical3A_181 = arith.shrui %xor3A_174, %shift_right_logical3A_180 : vector<16xi32>
        %or3A_182 = arith.ori %shift_left3A_178, %shift_right_logical3A_181 : vector<16xi32>
        %xor3A_183 = arith.xori %add3A_175, %or3A_182 : vector<16xi32>
        %add3A_184 = arith.addi %add3A_175, %xor3A_183 : vector<16xi32>
        %shift_left3A_185 = arith.constant 24 : i32
        %shift_left3A_186 = vector.broadcast %shift_left3A_185 : i32 to vector<16xi32>
        %shift_left3A_187 = arith.shli %xor3A_183, %shift_left3A_186 : vector<16xi32>
        %shift_right_logical3A_188 = arith.constant 8 : i32
        %shift_right_logical3A_189 = vector.broadcast %shift_right_logical3A_188 : i32 to vector<16xi32>
        %shift_right_logical3A_190 = arith.shrui %xor3A_183, %shift_right_logical3A_189 : vector<16xi32>
        %or3A_191 = arith.ori %shift_left3A_187, %shift_right_logical3A_190 : vector<16xi32>
        %xor3A_192 = arith.xori %add3A_184, %or3A_191 : vector<16xi32>
        %add3A_193 = arith.constant 42 : i32
        %add3A_194 = vector.broadcast %add3A_193 : i32 to vector<16xi32>
        %add3A_195 = arith.addi %add3A_184, %add3A_194 : vector<16xi32>
        %add3A_196 = arith.constant 466689008 : i32
        %add3A_197 = vector.broadcast %add3A_196 : i32 to vector<16xi32>
        %add3A_198 = arith.addi %xor3A_192, %add3A_197 : vector<16xi32>
        %add3A_199 = arith.constant 4 : i32
        %add3A_200 = vector.broadcast %add3A_199 : i32 to vector<16xi32>
        %add3A_201 = arith.addi %add3A_198, %add3A_200 : vector<16xi32>
        %add3A_202 = arith.addi %add3A_195, %add3A_201 : vector<16xi32>
        %shift_left3A_203 = arith.constant 13 : i32
        %shift_left3A_204 = vector.broadcast %shift_left3A_203 : i32 to vector<16xi32>
        %shift_left3A_205 = arith.shli %add3A_201, %shift_left3A_204 : vector<16xi32>
        %shift_right_logical3A_206 = arith.constant 19 : i32
        %shift_right_logical3A_207 = vector.broadcast %shift_right_logical3A_206 : i32 to vector<16xi32>
        %shift_right_logical3A_208 = arith.shrui %add3A_201, %shift_right_logical3A_207 : vector<16xi32>
        %or3A_209 = arith.ori %shift_left3A_205, %shift_right_logical3A_208 : vector<16xi32>
        %xor3A_210 = arith.xori %add3A_202, %or3A_209 : vector<16xi32>
        %add3A_211 = arith.addi %add3A_202, %xor3A_210 : vector<16xi32>
        %shift_left3A_212 = arith.constant 15 : i32
        %shift_left3A_213 = vector.broadcast %shift_left3A_212 : i32 to vector<16xi32>
        %shift_left3A_214 = arith.shli %xor3A_210, %shift_left3A_213 : vector<16xi32>
        %shift_right_logical3A_215 = arith.constant 17 : i32
        %shift_right_logical3A_216 = vector.broadcast %shift_right_logical3A_215 : i32 to vector<16xi32>
        %shift_right_logical3A_217 = arith.shrui %xor3A_210, %shift_right_logical3A_216 : vector<16xi32>
        %or3A_218 = arith.ori %shift_left3A_214, %shift_right_logical3A_217 : vector<16xi32>
        %xor3A_219 = arith.xori %add3A_211, %or3A_218 : vector<16xi32>
        %add3A_220 = arith.addi %add3A_211, %xor3A_219 : vector<16xi32>
        %shift_left3A_221 = arith.constant 26 : i32
        %shift_left3A_222 = vector.broadcast %shift_left3A_221 : i32 to vector<16xi32>
        %shift_left3A_223 = arith.shli %xor3A_219, %shift_left3A_222 : vector<16xi32>
        %shift_right_logical3A_224 = arith.constant 6 : i32
        %shift_right_logical3A_225 = vector.broadcast %shift_right_logical3A_224 : i32 to vector<16xi32>
        %shift_right_logical3A_226 = arith.shrui %xor3A_219, %shift_right_logical3A_225 : vector<16xi32>
        %or3A_227 = arith.ori %shift_left3A_223, %shift_right_logical3A_226 : vector<16xi32>
        %xor3A_228 = arith.xori %add3A_220, %or3A_227 : vector<16xi32>
        %add3A_229 = arith.addi %add3A_220, %xor3A_228 : vector<16xi32>
        %shift_left3A_230 = arith.constant 6 : i32
        %shift_left3A_231 = vector.broadcast %shift_left3A_230 : i32 to vector<16xi32>
        %shift_left3A_232 = arith.shli %xor3A_228, %shift_left3A_231 : vector<16xi32>
        %shift_right_logical3A_233 = arith.constant 26 : i32
        %shift_right_logical3A_234 = vector.broadcast %shift_right_logical3A_233 : i32 to vector<16xi32>
        %shift_right_logical3A_235 = arith.shrui %xor3A_228, %shift_right_logical3A_234 : vector<16xi32>
        %or3A_236 = arith.ori %shift_left3A_232, %shift_right_logical3A_235 : vector<16xi32>
        %xor3A_237 = arith.xori %add3A_229, %or3A_236 : vector<16xi32>
        %add3A_238 = arith.constant 466689008 : i32
        %add3A_239 = vector.broadcast %add3A_238 : i32 to vector<16xi32>
        %add3A_240 = arith.addi %add3A_229, %add3A_239 : vector<16xi32>
        %add3A_241 = arith.constant 0 : i32
        %add3A_242 = vector.broadcast %add3A_241 : i32 to vector<16xi32>
        %add3A_243 = arith.addi %xor3A_237, %add3A_242 : vector<16xi32>
        %add3A_244 = arith.constant 5 : i32
        %add3A_245 = vector.broadcast %add3A_244 : i32 to vector<16xi32>
        %add3A_246 = arith.addi %add3A_243, %add3A_245 : vector<16xi32>
        %add3A_247 = arith.constant 16 : i32
        %add3A_248 = arith.addi %add3A_21, %add3A_247 : i32
        %add3A_249 = vector.broadcast %add3A_248 : i32 to vector<16xi32>
        %add3A_250 = arith.addi %add3A_249, %iota3A : vector<16xi32>
        %add3A_251 = arith.constant 42 : i32
        %add3A_252 = vector.broadcast %add3A_251 : i32 to vector<16xi32>
        %add3A_253 = arith.addi %add3A_250, %add3A_252 : vector<16xi32>
        %shift_left3A_254 = arith.constant 13 : i32
        %shift_left3A_255 = vector.broadcast %shift_left3A_254 : i32 to vector<16xi32>
        %shift_left3A_256 = arith.shli %add3A_253, %shift_left3A_255 : vector<16xi32>
        %shift_right_logical3A_257 = arith.constant 19 : i32
        %shift_right_logical3A_258 = vector.broadcast %shift_right_logical3A_257 : i32 to vector<16xi32>
        %shift_right_logical3A_259 = arith.shrui %add3A_253, %shift_right_logical3A_258 : vector<16xi32>
        %or3A_260 = arith.ori %shift_left3A_256, %shift_right_logical3A_259 : vector<16xi32>
        %xor3A_261 = arith.xori %add3A_253, %or3A_260 : vector<16xi32>
        %add3A_262 = arith.addi %add3A_253, %xor3A_261 : vector<16xi32>
        %shift_left3A_263 = arith.constant 15 : i32
        %shift_left3A_264 = vector.broadcast %shift_left3A_263 : i32 to vector<16xi32>
        %shift_left3A_265 = arith.shli %xor3A_261, %shift_left3A_264 : vector<16xi32>
        %shift_right_logical3A_266 = arith.constant 17 : i32
        %shift_right_logical3A_267 = vector.broadcast %shift_right_logical3A_266 : i32 to vector<16xi32>
        %shift_right_logical3A_268 = arith.shrui %xor3A_261, %shift_right_logical3A_267 : vector<16xi32>
        %or3A_269 = arith.ori %shift_left3A_265, %shift_right_logical3A_268 : vector<16xi32>
        %xor3A_270 = arith.xori %add3A_262, %or3A_269 : vector<16xi32>
        %add3A_271 = arith.addi %add3A_262, %xor3A_270 : vector<16xi32>
        %shift_left3A_272 = arith.constant 26 : i32
        %shift_left3A_273 = vector.broadcast %shift_left3A_272 : i32 to vector<16xi32>
        %shift_left3A_274 = arith.shli %xor3A_270, %shift_left3A_273 : vector<16xi32>
        %shift_right_logical3A_275 = arith.constant 6 : i32
        %shift_right_logical3A_276 = vector.broadcast %shift_right_logical3A_275 : i32 to vector<16xi32>
        %shift_right_logical3A_277 = arith.shrui %xor3A_270, %shift_right_logical3A_276 : vector<16xi32>
        %or3A_278 = arith.ori %shift_left3A_274, %shift_right_logical3A_277 : vector<16xi32>
        %xor3A_279 = arith.xori %add3A_271, %or3A_278 : vector<16xi32>
        %add3A_280 = arith.addi %add3A_271, %xor3A_279 : vector<16xi32>
        %shift_left3A_281 = arith.constant 6 : i32
        %shift_left3A_282 = vector.broadcast %shift_left3A_281 : i32 to vector<16xi32>
        %shift_left3A_283 = arith.shli %xor3A_279, %shift_left3A_282 : vector<16xi32>
        %shift_right_logical3A_284 = arith.constant 26 : i32
        %shift_right_logical3A_285 = vector.broadcast %shift_right_logical3A_284 : i32 to vector<16xi32>
        %shift_right_logical3A_286 = arith.shrui %xor3A_279, %shift_right_logical3A_285 : vector<16xi32>
        %or3A_287 = arith.ori %shift_left3A_283, %shift_right_logical3A_286 : vector<16xi32>
        %xor3A_288 = arith.xori %add3A_280, %or3A_287 : vector<16xi32>
        %add3A_289 = arith.constant 42 : i32
        %add3A_290 = vector.broadcast %add3A_289 : i32 to vector<16xi32>
        %add3A_291 = arith.addi %add3A_280, %add3A_290 : vector<16xi32>
        %add3A_292 = arith.constant 466689008 : i32
        %add3A_293 = vector.broadcast %add3A_292 : i32 to vector<16xi32>
        %add3A_294 = arith.addi %xor3A_288, %add3A_293 : vector<16xi32>
        %add3A_295 = arith.constant 1 : i32
        %add3A_296 = vector.broadcast %add3A_295 : i32 to vector<16xi32>
        %add3A_297 = arith.addi %add3A_294, %add3A_296 : vector<16xi32>
        %add3A_298 = arith.addi %add3A_291, %add3A_297 : vector<16xi32>
        %shift_left3A_299 = arith.constant 17 : i32
        %shift_left3A_300 = vector.broadcast %shift_left3A_299 : i32 to vector<16xi32>
        %shift_left3A_301 = arith.shli %add3A_297, %shift_left3A_300 : vector<16xi32>
        %shift_right_logical3A_302 = arith.constant 15 : i32
        %shift_right_logical3A_303 = vector.broadcast %shift_right_logical3A_302 : i32 to vector<16xi32>
        %shift_right_logical3A_304 = arith.shrui %add3A_297, %shift_right_logical3A_303 : vector<16xi32>
        %or3A_305 = arith.ori %shift_left3A_301, %shift_right_logical3A_304 : vector<16xi32>
        %xor3A_306 = arith.xori %add3A_298, %or3A_305 : vector<16xi32>
        %add3A_307 = arith.addi %add3A_298, %xor3A_306 : vector<16xi32>
        %shift_left3A_308 = arith.constant 29 : i32
        %shift_left3A_309 = vector.broadcast %shift_left3A_308 : i32 to vector<16xi32>
        %shift_left3A_310 = arith.shli %xor3A_306, %shift_left3A_309 : vector<16xi32>
        %shift_right_logical3A_311 = arith.constant 3 : i32
        %shift_right_logical3A_312 = vector.broadcast %shift_right_logical3A_311 : i32 to vector<16xi32>
        %shift_right_logical3A_313 = arith.shrui %xor3A_306, %shift_right_logical3A_312 : vector<16xi32>
        %or3A_314 = arith.ori %shift_left3A_310, %shift_right_logical3A_313 : vector<16xi32>
        %xor3A_315 = arith.xori %add3A_307, %or3A_314 : vector<16xi32>
        %add3A_316 = arith.addi %add3A_307, %xor3A_315 : vector<16xi32>
        %shift_left3A_317 = arith.constant 16 : i32
        %shift_left3A_318 = vector.broadcast %shift_left3A_317 : i32 to vector<16xi32>
        %shift_left3A_319 = arith.shli %xor3A_315, %shift_left3A_318 : vector<16xi32>
        %shift_right_logical3A_320 = arith.constant 16 : i32
        %shift_right_logical3A_321 = vector.broadcast %shift_right_logical3A_320 : i32 to vector<16xi32>
        %shift_right_logical3A_322 = arith.shrui %xor3A_315, %shift_right_logical3A_321 : vector<16xi32>
        %or3A_323 = arith.ori %shift_left3A_319, %shift_right_logical3A_322 : vector<16xi32>
        %xor3A_324 = arith.xori %add3A_316, %or3A_323 : vector<16xi32>
        %add3A_325 = arith.addi %add3A_316, %xor3A_324 : vector<16xi32>
        %shift_left3A_326 = arith.constant 24 : i32
        %shift_left3A_327 = vector.broadcast %shift_left3A_326 : i32 to vector<16xi32>
        %shift_left3A_328 = arith.shli %xor3A_324, %shift_left3A_327 : vector<16xi32>
        %shift_right_logical3A_329 = arith.constant 8 : i32
        %shift_right_logical3A_330 = vector.broadcast %shift_right_logical3A_329 : i32 to vector<16xi32>
        %shift_right_logical3A_331 = arith.shrui %xor3A_324, %shift_right_logical3A_330 : vector<16xi32>
        %or3A_332 = arith.ori %shift_left3A_328, %shift_right_logical3A_331 : vector<16xi32>
        %xor3A_333 = arith.xori %add3A_325, %or3A_332 : vector<16xi32>
        %add3A_334 = arith.constant 466689008 : i32
        %add3A_335 = vector.broadcast %add3A_334 : i32 to vector<16xi32>
        %add3A_336 = arith.addi %add3A_325, %add3A_335 : vector<16xi32>
        %add3A_337 = arith.constant 0 : i32
        %add3A_338 = vector.broadcast %add3A_337 : i32 to vector<16xi32>
        %add3A_339 = arith.addi %xor3A_333, %add3A_338 : vector<16xi32>
        %add3A_340 = arith.constant 2 : i32
        %add3A_341 = vector.broadcast %add3A_340 : i32 to vector<16xi32>
        %add3A_342 = arith.addi %add3A_339, %add3A_341 : vector<16xi32>
        %add3A_343 = arith.addi %add3A_336, %add3A_342 : vector<16xi32>
        %shift_left3A_344 = arith.constant 13 : i32
        %shift_left3A_345 = vector.broadcast %shift_left3A_344 : i32 to vector<16xi32>
        %shift_left3A_346 = arith.shli %add3A_342, %shift_left3A_345 : vector<16xi32>
        %shift_right_logical3A_347 = arith.constant 19 : i32
        %shift_right_logical3A_348 = vector.broadcast %shift_right_logical3A_347 : i32 to vector<16xi32>
        %shift_right_logical3A_349 = arith.shrui %add3A_342, %shift_right_logical3A_348 : vector<16xi32>
        %or3A_350 = arith.ori %shift_left3A_346, %shift_right_logical3A_349 : vector<16xi32>
        %xor3A_351 = arith.xori %add3A_343, %or3A_350 : vector<16xi32>
        %add3A_352 = arith.addi %add3A_343, %xor3A_351 : vector<16xi32>
        %shift_left3A_353 = arith.constant 15 : i32
        %shift_left3A_354 = vector.broadcast %shift_left3A_353 : i32 to vector<16xi32>
        %shift_left3A_355 = arith.shli %xor3A_351, %shift_left3A_354 : vector<16xi32>
        %shift_right_logical3A_356 = arith.constant 17 : i32
        %shift_right_logical3A_357 = vector.broadcast %shift_right_logical3A_356 : i32 to vector<16xi32>
        %shift_right_logical3A_358 = arith.shrui %xor3A_351, %shift_right_logical3A_357 : vector<16xi32>
        %or3A_359 = arith.ori %shift_left3A_355, %shift_right_logical3A_358 : vector<16xi32>
        %xor3A_360 = arith.xori %add3A_352, %or3A_359 : vector<16xi32>
        %add3A_361 = arith.addi %add3A_352, %xor3A_360 : vector<16xi32>
        %shift_left3A_362 = arith.constant 26 : i32
        %shift_left3A_363 = vector.broadcast %shift_left3A_362 : i32 to vector<16xi32>
        %shift_left3A_364 = arith.shli %xor3A_360, %shift_left3A_363 : vector<16xi32>
        %shift_right_logical3A_365 = arith.constant 6 : i32
        %shift_right_logical3A_366 = vector.broadcast %shift_right_logical3A_365 : i32 to vector<16xi32>
        %shift_right_logical3A_367 = arith.shrui %xor3A_360, %shift_right_logical3A_366 : vector<16xi32>
        %or3A_368 = arith.ori %shift_left3A_364, %shift_right_logical3A_367 : vector<16xi32>
        %xor3A_369 = arith.xori %add3A_361, %or3A_368 : vector<16xi32>
        %add3A_370 = arith.addi %add3A_361, %xor3A_369 : vector<16xi32>
        %shift_left3A_371 = arith.constant 6 : i32
        %shift_left3A_372 = vector.broadcast %shift_left3A_371 : i32 to vector<16xi32>
        %shift_left3A_373 = arith.shli %xor3A_369, %shift_left3A_372 : vector<16xi32>
        %shift_right_logical3A_374 = arith.constant 26 : i32
        %shift_right_logical3A_375 = vector.broadcast %shift_right_logical3A_374 : i32 to vector<16xi32>
        %shift_right_logical3A_376 = arith.shrui %xor3A_369, %shift_right_logical3A_375 : vector<16xi32>
        %or3A_377 = arith.ori %shift_left3A_373, %shift_right_logical3A_376 : vector<16xi32>
        %xor3A_378 = arith.xori %add3A_370, %or3A_377 : vector<16xi32>
        %add3A_379 = arith.constant 0 : i32
        %add3A_380 = vector.broadcast %add3A_379 : i32 to vector<16xi32>
        %add3A_381 = arith.addi %add3A_370, %add3A_380 : vector<16xi32>
        %add3A_382 = arith.constant 42 : i32
        %add3A_383 = vector.broadcast %add3A_382 : i32 to vector<16xi32>
        %add3A_384 = arith.addi %xor3A_378, %add3A_383 : vector<16xi32>
        %add3A_385 = arith.constant 3 : i32
        %add3A_386 = vector.broadcast %add3A_385 : i32 to vector<16xi32>
        %add3A_387 = arith.addi %add3A_384, %add3A_386 : vector<16xi32>
        %add3A_388 = arith.addi %add3A_381, %add3A_387 : vector<16xi32>
        %shift_left3A_389 = arith.constant 17 : i32
        %shift_left3A_390 = vector.broadcast %shift_left3A_389 : i32 to vector<16xi32>
        %shift_left3A_391 = arith.shli %add3A_387, %shift_left3A_390 : vector<16xi32>
        %shift_right_logical3A_392 = arith.constant 15 : i32
        %shift_right_logical3A_393 = vector.broadcast %shift_right_logical3A_392 : i32 to vector<16xi32>
        %shift_right_logical3A_394 = arith.shrui %add3A_387, %shift_right_logical3A_393 : vector<16xi32>
        %or3A_395 = arith.ori %shift_left3A_391, %shift_right_logical3A_394 : vector<16xi32>
        %xor3A_396 = arith.xori %add3A_388, %or3A_395 : vector<16xi32>
        %add3A_397 = arith.addi %add3A_388, %xor3A_396 : vector<16xi32>
        %shift_left3A_398 = arith.constant 29 : i32
        %shift_left3A_399 = vector.broadcast %shift_left3A_398 : i32 to vector<16xi32>
        %shift_left3A_400 = arith.shli %xor3A_396, %shift_left3A_399 : vector<16xi32>
        %shift_right_logical3A_401 = arith.constant 3 : i32
        %shift_right_logical3A_402 = vector.broadcast %shift_right_logical3A_401 : i32 to vector<16xi32>
        %shift_right_logical3A_403 = arith.shrui %xor3A_396, %shift_right_logical3A_402 : vector<16xi32>
        %or3A_404 = arith.ori %shift_left3A_400, %shift_right_logical3A_403 : vector<16xi32>
        %xor3A_405 = arith.xori %add3A_397, %or3A_404 : vector<16xi32>
        %add3A_406 = arith.addi %add3A_397, %xor3A_405 : vector<16xi32>
        %shift_left3A_407 = arith.constant 16 : i32
        %shift_left3A_408 = vector.broadcast %shift_left3A_407 : i32 to vector<16xi32>
        %shift_left3A_409 = arith.shli %xor3A_405, %shift_left3A_408 : vector<16xi32>
        %shift_right_logical3A_410 = arith.constant 16 : i32
        %shift_right_logical3A_411 = vector.broadcast %shift_right_logical3A_410 : i32 to vector<16xi32>
        %shift_right_logical3A_412 = arith.shrui %xor3A_405, %shift_right_logical3A_411 : vector<16xi32>
        %or3A_413 = arith.ori %shift_left3A_409, %shift_right_logical3A_412 : vector<16xi32>
        %xor3A_414 = arith.xori %add3A_406, %or3A_413 : vector<16xi32>
        %add3A_415 = arith.addi %add3A_406, %xor3A_414 : vector<16xi32>
        %shift_left3A_416 = arith.constant 24 : i32
        %shift_left3A_417 = vector.broadcast %shift_left3A_416 : i32 to vector<16xi32>
        %shift_left3A_418 = arith.shli %xor3A_414, %shift_left3A_417 : vector<16xi32>
        %shift_right_logical3A_419 = arith.constant 8 : i32
        %shift_right_logical3A_420 = vector.broadcast %shift_right_logical3A_419 : i32 to vector<16xi32>
        %shift_right_logical3A_421 = arith.shrui %xor3A_414, %shift_right_logical3A_420 : vector<16xi32>
        %or3A_422 = arith.ori %shift_left3A_418, %shift_right_logical3A_421 : vector<16xi32>
        %xor3A_423 = arith.xori %add3A_415, %or3A_422 : vector<16xi32>
        %add3A_424 = arith.constant 42 : i32
        %add3A_425 = vector.broadcast %add3A_424 : i32 to vector<16xi32>
        %add3A_426 = arith.addi %add3A_415, %add3A_425 : vector<16xi32>
        %add3A_427 = arith.constant 466689008 : i32
        %add3A_428 = vector.broadcast %add3A_427 : i32 to vector<16xi32>
        %add3A_429 = arith.addi %xor3A_423, %add3A_428 : vector<16xi32>
        %add3A_430 = arith.constant 4 : i32
        %add3A_431 = vector.broadcast %add3A_430 : i32 to vector<16xi32>
        %add3A_432 = arith.addi %add3A_429, %add3A_431 : vector<16xi32>
        %add3A_433 = arith.addi %add3A_426, %add3A_432 : vector<16xi32>
        %shift_left3A_434 = arith.constant 13 : i32
        %shift_left3A_435 = vector.broadcast %shift_left3A_434 : i32 to vector<16xi32>
        %shift_left3A_436 = arith.shli %add3A_432, %shift_left3A_435 : vector<16xi32>
        %shift_right_logical3A_437 = arith.constant 19 : i32
        %shift_right_logical3A_438 = vector.broadcast %shift_right_logical3A_437 : i32 to vector<16xi32>
        %shift_right_logical3A_439 = arith.shrui %add3A_432, %shift_right_logical3A_438 : vector<16xi32>
        %or3A_440 = arith.ori %shift_left3A_436, %shift_right_logical3A_439 : vector<16xi32>
        %xor3A_441 = arith.xori %add3A_433, %or3A_440 : vector<16xi32>
        %add3A_442 = arith.addi %add3A_433, %xor3A_441 : vector<16xi32>
        %shift_left3A_443 = arith.constant 15 : i32
        %shift_left3A_444 = vector.broadcast %shift_left3A_443 : i32 to vector<16xi32>
        %shift_left3A_445 = arith.shli %xor3A_441, %shift_left3A_444 : vector<16xi32>
        %shift_right_logical3A_446 = arith.constant 17 : i32
        %shift_right_logical3A_447 = vector.broadcast %shift_right_logical3A_446 : i32 to vector<16xi32>
        %shift_right_logical3A_448 = arith.shrui %xor3A_441, %shift_right_logical3A_447 : vector<16xi32>
        %or3A_449 = arith.ori %shift_left3A_445, %shift_right_logical3A_448 : vector<16xi32>
        %xor3A_450 = arith.xori %add3A_442, %or3A_449 : vector<16xi32>
        %add3A_451 = arith.addi %add3A_442, %xor3A_450 : vector<16xi32>
        %shift_left3A_452 = arith.constant 26 : i32
        %shift_left3A_453 = vector.broadcast %shift_left3A_452 : i32 to vector<16xi32>
        %shift_left3A_454 = arith.shli %xor3A_450, %shift_left3A_453 : vector<16xi32>
        %shift_right_logical3A_455 = arith.constant 6 : i32
        %shift_right_logical3A_456 = vector.broadcast %shift_right_logical3A_455 : i32 to vector<16xi32>
        %shift_right_logical3A_457 = arith.shrui %xor3A_450, %shift_right_logical3A_456 : vector<16xi32>
        %or3A_458 = arith.ori %shift_left3A_454, %shift_right_logical3A_457 : vector<16xi32>
        %xor3A_459 = arith.xori %add3A_451, %or3A_458 : vector<16xi32>
        %add3A_460 = arith.addi %add3A_451, %xor3A_459 : vector<16xi32>
        %shift_left3A_461 = arith.constant 6 : i32
        %shift_left3A_462 = vector.broadcast %shift_left3A_461 : i32 to vector<16xi32>
        %shift_left3A_463 = arith.shli %xor3A_459, %shift_left3A_462 : vector<16xi32>
        %shift_right_logical3A_464 = arith.constant 26 : i32
        %shift_right_logical3A_465 = vector.broadcast %shift_right_logical3A_464 : i32 to vector<16xi32>
        %shift_right_logical3A_466 = arith.shrui %xor3A_459, %shift_right_logical3A_465 : vector<16xi32>
        %or3A_467 = arith.ori %shift_left3A_463, %shift_right_logical3A_466 : vector<16xi32>
        %xor3A_468 = arith.xori %add3A_460, %or3A_467 : vector<16xi32>
        %add3A_469 = arith.constant 466689008 : i32
        %add3A_470 = vector.broadcast %add3A_469 : i32 to vector<16xi32>
        %add3A_471 = arith.addi %add3A_460, %add3A_470 : vector<16xi32>
        %add3A_472 = arith.constant 0 : i32
        %add3A_473 = vector.broadcast %add3A_472 : i32 to vector<16xi32>
        %add3A_474 = arith.addi %xor3A_468, %add3A_473 : vector<16xi32>
        %add3A_475 = arith.constant 5 : i32
        %add3A_476 = vector.broadcast %add3A_475 : i32 to vector<16xi32>
        %add3A_477 = arith.addi %add3A_474, %add3A_476 : vector<16xi32>
        %xor3A_478 = arith.xori %add3A_240, %add3A_246 : vector<16xi32>
        %mul3A_479 = arith.constant 32 : i32
        %mul3A_480 = arith.muli %scan3A_18, %mul3A_479 : i32
        %swap3A = arith.index_cast %mul3A_480 : i32 to index
        %swap3A_481 = tpu.vector_load %arg3[%swap3A] {strides = array<i32>} : memref<8192xi32, #tpu.memory_space<vmem>>, vector<16xi32>,
        %swap3A_482 = vector.shape_cast %swap3A_481 : vector<16xi32> to vector<16xi32>
        %swap3A_483 = vector.shape_cast %xor3A_478 : vector<16xi32> to vector<16xi32>
        tpu.vector_store %arg3[%swap3A], %swap3A_483 {strides = array<i32>} : memref<8192xi32, #tpu.memory_space<vmem>>, vector<16xi32>,
        %xor3A_484 = arith.xori %add3A_471, %add3A_477 : vector<16xi32>
        %mul3A_485 = arith.constant 32 : i32
        %mul3A_486 = arith.muli %scan3A_18, %mul3A_485 : i32
        %add3A_487 = arith.constant 16 : i32
        %add3A_488 = arith.addi %mul3A_486, %add3A_487 : i32
        %swap3A_489 = arith.index_cast %add3A_488 : i32 to index
        %swap3A_490 = tpu.vector_load %arg3[%swap3A_489] {strides = array<i32>} : memref<8192xi32, #tpu.memory_space<vmem>>, vector<16xi32>,
        %swap3A_491 = vector.shape_cast %swap3A_490 : vector<16xi32> to vector<16xi32>
        %swap3A_492 = vector.shape_cast %xor3A_484 : vector<16xi32> to vector<16xi32>
        tpu.vector_store %arg3[%swap3A_489], %swap3A_492 {strides = array<i32>} : memref<8192xi32, #tpu.memory_space<vmem>>, vector<16xi32>,
      }
      %scan3A_17 = arith.constant 256 : i32
      "tpu.region"() ({
        %run_scoped3A = tpu.sem_alloc : memref<!tpu.dma_semaphore, #tpu.memory_space<semaphore_mem>>
        %dma_start3A = tpu.memref_slice %arg2[%add3A_11] : memref<4194304xi32, #tpu.memory_space<hbm>> -> memref<8192xi32, #tpu.memory_space<hbm>>
        %dma_start3A_18 = tpu.memref_slice %arg2[%add3A_11] : memref<4194304xi32, #tpu.memory_space<hbm>> -> memref<8192xi32, #tpu.memory_space<hbm>>
        tpu.enqueue_dma source(%arg3 : memref<8192xi32, #tpu.memory_space<vmem>>) target(%dma_start3A_18 : memref<8192xi32, #tpu.memory_space<hbm>>) target_semaphore(%run_scoped3A : memref<!tpu.dma_semaphore, #tpu.memory_space<semaphore_mem>>)
        %dma_wait3A = tpu.memref_slice %arg2[%add3A_11] : memref<4194304xi32, #tpu.memory_space<hbm>> -> memref<8192xi32, #tpu.memory_space<hbm>>
        %dma_wait3A_19 = tpu.memref_slice %arg2[%add3A_11] : memref<4194304xi32, #tpu.memory_space<hbm>> -> memref<8192xi32, #tpu.memory_space<hbm>>
        tpu.wait_dma2 semaphore(%run_scoped3A : memref<!tpu.dma_semaphore, #tpu.memory_space<semaphore_mem>>) src(%arg3 : memref<8192xi32, #tpu.memory_space<vmem>>) dst(%dma_wait3A_19 : memref<8192xi32, #tpu.memory_space<hbm>>)
        tpu.yield
      }) : () -> ()
    }
    %scan3A_7 = arith.constant 16 : i32
    return
  }
}

module attributes {stable_mosaic.version = 14 : i64} {
  func.func @_tc_bits_body(%arg0: i32, %arg1: memref<16384x1024xf32, #tpu.memory_space<any>>, %arg2: memref<1x1x1024xi32, #tpu.memory_space<vmem>>, %arg3: memref<1024x1024xbf16, #tpu.memory_space<vmem>>, %arg4: memref<1024x1024xi32, #tpu.memory_space<vmem>>, %arg5: memref<1024x1024xf32, #tpu.memory_space<vmem>>) attributes {dimension_semantics = [#tpu.dimension_semantics<arbitrary>], iteration_bounds = array<i64: 4>, scalar_prefetch = 0 : i64, scratch_operands = 0 : i64, tpu.core_type = #tpu.core_type<tc>, window_params = [{}, {transform_indices = @transform_1, window_bounds = array<i64: 1, 1, 1024>}, {pipeline_mode = #tpu.pipeline_mode<synchronous>, transform_indices = @transform_2, window_bounds = array<i64: 1024, 1024>}, {transform_indices = @transform_3, window_bounds = array<i64: 1024, 1024>}, {transform_indices = @transform_4, window_bounds = array<i64: 1024, 1024>}]} {
    %get3A = arith.constant 0 : index
    %get3A_0 = arith.constant 0 : index
    %get3A_1 = arith.constant 0 : index
    %get3A_2 = vector.load %arg2[%get3A, %get3A_0, %get3A_1] : memref<1x1x1024xi32, #tpu.memory_space<vmem>>, vector<1x1x1024xi32>
    %get3A_3 = vector.shape_cast %get3A_2 : vector<1x1x1024xi32> to vector<1024xi32>
    %iota3A = tpu.iota {dimensions = array<i32: 1>} : vector<1024x1024xi32>
    %broadcast_in_dim3A = vector.shape_cast %get3A_3 : vector<1024xi32> to vector<1024x1xi32>
    %eq3A = vector.broadcast %broadcast_in_dim3A : vector<1024x1xi32> to vector<1024x1024xi32>
    %eq3A_4 = arith.cmpi eq, %eq3A, %iota3A : vector<1024x1024xi32>
    %jit3A = arith.constant 1.000000e+00 : f32
    %jit3A_5 = arith.constant 0.000000e+00 : f32
    %broadcast_in_dim3A_6 = vector.broadcast %jit3A : f32 to vector<1024x1024xf32>
    %broadcast_in_dim3A_7 = vector.broadcast %jit3A_5 : f32 to vector<1024x1024xf32>
    %select_n3A = arith.select %eq3A_4, %broadcast_in_dim3A_6, %broadcast_in_dim3A_7 : vector<1024x1024xi1>, vector<1024x1024xf32>
    %convert_element_type3A = arith.truncf %select_n3A : vector<1024x1024xf32> to vector<1024x1024xbf16>
    %get3A_8 = arith.constant 0 : index
    %get3A_9 = arith.constant 0 : index
    %get3A_10 = vector.load %arg3[%get3A_8, %get3A_9] : memref<1024x1024xbf16, #tpu.memory_space<vmem>>, vector<1024x1024xbf16>
    %dot_general3A = arith.constant dense<0.000000e+00> : vector<1024x1024xf32>
    %dot_general3A_11 = tpu.matmul %convert_element_type3A, %get3A_10, %dot_general3A {dimension_numbers = #tpu.dot_dimension_numbers<[1], [0], [0], [1], [0, 0, 1, 1], [], []>, transpose_lhs_hint = false} : vector<1024x1024xbf16>, vector<1024x1024xbf16>, vector<1024x1024xf32> -> vector<1024x1024xf32>
    %get3A_12 = arith.constant 0 : index
    %get3A_13 = arith.constant 0 : index
    %get3A_14 = vector.load %arg4[%get3A_12, %get3A_13] : memref<1024x1024xi32, #tpu.memory_space<vmem>>, vector<1024x1024xi32>
    %shift_right_logical3A = arith.constant 9 : i32
    %shift_right_logical3A_15 = vector.broadcast %shift_right_logical3A : i32 to vector<1024x1024xi32>
    %shift_right_logical3A_16 = arith.shrui %get3A_14, %shift_right_logical3A_15 : vector<1024x1024xi32>
    %or3A = arith.constant 1065353216 : i32
    %or3A_17 = vector.broadcast %or3A : i32 to vector<1024x1024xi32>
    %or3A_18 = arith.ori %shift_right_logical3A_16, %or3A_17 : vector<1024x1024xi32>
    %bitcast_convert_type3A = tpu.bitcast %or3A_18 : vector<1024x1024xi32> -> vector<1024x1024xf32>
    %sub3A = arith.constant 1.000000e+00 : f32
    %sub3A_19 = vector.broadcast %sub3A : f32 to vector<1024x1024xf32>
    %sub3A_20 = arith.subf %bitcast_convert_type3A, %sub3A_19 : vector<1024x1024xf32>
    %add3A = arith.constant 1.000000e-10 : f32
    %add3A_21 = vector.broadcast %add3A : f32 to vector<1024x1024xf32>
    %add3A_22 = arith.addf %sub3A_20, %add3A_21 : vector<1024x1024xf32>
    %log3A = math.log %add3A_22 : vector<1024x1024xf32>
    %neg3A = arith.constant 0.000000e+00 : f32
    %neg3A_23 = vector.broadcast %neg3A : f32 to vector<1024x1024xf32>
    %neg3A_24 = arith.subf %neg3A_23, %log3A : vector<1024x1024xf32>
    %log3A_25 = math.log %neg3A_24 : vector<1024x1024xf32>
    %neg3A_26 = arith.constant 0.000000e+00 : f32
    %neg3A_27 = vector.broadcast %neg3A_26 : f32 to vector<1024x1024xf32>
    %neg3A_28 = arith.subf %neg3A_27, %log3A_25 : vector<1024x1024xf32>
    %add3A_29 = arith.addf %dot_general3A_11, %neg3A_28 : vector<1024x1024xf32>
    %exp3A = math.exp %add3A_29 : vector<1024x1024xf32>
    %reduce_sum3A = arith.constant dense<0.000000e+00> : vector<1024xf32>
    %reduce_sum3A_30 = vector.multi_reduction <add>, %exp3A, %reduce_sum3A [1] : vector<1024x1024xf32> to vector<1024xf32>
    %broadcast_in_dim3A_31 = vector.shape_cast %reduce_sum3A_30 : vector<1024xf32> to vector<1024x1xf32>
    %div3A = arith.constant 1.000000e+00 : f32
    %div3A_32 = vector.broadcast %div3A : f32 to vector<1024x1xf32>
    %div3A_33 = arith.divf %div3A_32, %broadcast_in_dim3A_31 : vector<1024x1xf32>
    %mul3A = vector.broadcast %div3A_33 : vector<1024x1xf32> to vector<1024x1024xf32>
    %mul3A_34 = arith.mulf %exp3A, %mul3A : vector<1024x1024xf32>
    %swap3A = arith.constant 0 : index
    %swap3A_35 = arith.constant 0 : index
    %swap3A_36 = vector.load %arg5[%swap3A, %swap3A_35] : memref<1024x1024xf32, #tpu.memory_space<vmem>>, vector<1024x1024xf32>
    tpu.vector_store %arg5[%swap3A, %swap3A_35], %mul3A_34 {strides = array<i32>} : memref<1024x1024xf32, #tpu.memory_space<vmem>>, vector<1024x1024xf32>,
    return
  }
  func.func @transform_1(%arg0: i32) -> (i32, i32, i32) {
    %c0_i32 = arith.constant 0 : i32
    %c0_i32_0 = arith.constant 0 : i32
    %c0_i32_1 = arith.constant 0 : i32
    return %arg0, %c0_i32, %c0_i32_0 : i32, i32, i32
  }
  func.func @transform_2(%arg0: i32) -> (i32, i32) {
    %c0_i32 = arith.constant 0 : i32
    %c0_i32_0 = arith.constant 0 : i32
    %c0_i32_1 = arith.constant 0 : i32
    return %c0_i32, %c0_i32_0 : i32, i32
  }
  func.func @transform_3(%arg0: i32) -> (i32, i32) {
    %c0_i32 = arith.constant 0 : i32
    %c0_i32_0 = arith.constant 0 : i32
    return %arg0, %c0_i32 : i32, i32
  }
  func.func @transform_4(%arg0: i32) -> (i32, i32) {
    %c0_i32 = arith.constant 0 : i32
    %c0_i32_0 = arith.constant 0 : i32
    return %arg0, %c0_i32 : i32, i32
  }
}

module attributes {stable_mosaic.version = 14 : i64} {
  func.func @_tc_rng_body(%arg0: i32, %arg1: memref<1x1x1024xi32, #tpu.memory_space<vmem>>, %arg2: memref<1024x1024xbf16, #tpu.memory_space<vmem>>, %arg3: memref<1024x1024xi32, #tpu.memory_space<vmem>>, %arg4: memref<1024x1024xf32, #tpu.memory_space<vmem>>) attributes {dimension_semantics = [#tpu.dimension_semantics<arbitrary>], iteration_bounds = array<i64: 12>, scalar_prefetch = 0 : i64, scratch_operands = 0 : i64, tpu.core_type = #tpu.core_type<tc>, window_params = [{transform_indices = @transform_0, window_bounds = array<i64: 1, 1, 1024>}, {pipeline_mode = #tpu.pipeline_mode<synchronous>, transform_indices = @transform_1, window_bounds = array<i64: 1024, 1024>}, {pipeline_mode = #tpu.pipeline_mode<synchronous>, transform_indices = @transform_2, window_bounds = array<i64: 1024, 1024>}, {transform_indices = @transform_3, window_bounds = array<i64: 1024, 1024>}]} {
    %get3A = arith.constant 0 : index
    %get3A_0 = arith.constant 0 : index
    %get3A_1 = arith.constant 0 : index
    %get3A_2 = vector.load %arg1[%get3A, %get3A_0, %get3A_1] : memref<1x1x1024xi32, #tpu.memory_space<vmem>>, vector<1x1x1024xi32>
    %get3A_3 = vector.shape_cast %get3A_2 : vector<1x1x1024xi32> to vector<1024xi32>
    %iota3A = tpu.iota {dimensions = array<i32: 1>} : vector<1024x1024xi32>
    %broadcast_in_dim3A = vector.shape_cast %get3A_3 : vector<1024xi32> to vector<1024x1xi32>
    %eq3A = vector.broadcast %broadcast_in_dim3A : vector<1024x1xi32> to vector<1024x1024xi32>
    %eq3A_4 = arith.cmpi eq, %eq3A, %iota3A : vector<1024x1024xi32>
    %jit3A = arith.constant 1.000000e+00 : f32
    %jit3A_5 = arith.constant 0.000000e+00 : f32
    %broadcast_in_dim3A_6 = vector.broadcast %jit3A : f32 to vector<1024x1024xf32>
    %broadcast_in_dim3A_7 = vector.broadcast %jit3A_5 : f32 to vector<1024x1024xf32>
    %select_n3A = arith.select %eq3A_4, %broadcast_in_dim3A_6, %broadcast_in_dim3A_7 : vector<1024x1024xi1>, vector<1024x1024xf32>
    %convert_element_type3A = arith.truncf %select_n3A : vector<1024x1024xf32> to vector<1024x1024xbf16>
    %get3A_8 = arith.constant 0 : index
    %get3A_9 = arith.constant 0 : index
    %get3A_10 = vector.load %arg2[%get3A_8, %get3A_9] : memref<1024x1024xbf16, #tpu.memory_space<vmem>>, vector<1024x1024xbf16>
    %dot_general3A = arith.constant dense<0.000000e+00> : vector<1024x1024xf32>
    %dot_general3A_11 = tpu.matmul %convert_element_type3A, %get3A_10, %dot_general3A {dimension_numbers = #tpu.dot_dimension_numbers<[1], [0], [0], [1], [0, 0, 1, 1], [], []>, transpose_lhs_hint = false} : vector<1024x1024xbf16>, vector<1024x1024xbf16>, vector<1024x1024xf32> -> vector<1024x1024xf32>
    %add3A = arith.constant 4 : i32
    %add3A_12 = arith.addi %arg0, %add3A : i32
    %mul3A = arith.constant 1048576 : i32
    %mul3A_13 = arith.muli %add3A_12, %mul3A : i32
    %get3A_14 = arith.constant 0 : index
    %get3A_15 = arith.constant 0 : index
    %get3A_16 = vector.load %arg3[%get3A_14, %get3A_15] : memref<1024x1024xi32, #tpu.memory_space<vmem>>, vector<1024x1024xi32>
    %add3A_17 = vector.broadcast %mul3A_13 : i32 to vector<1024x1024xi32>
    %add3A_18 = arith.addi %get3A_16, %add3A_17 : vector<1024x1024xi32>
    %add3A_19 = arith.constant 42 : i32
    %add3A_20 = vector.broadcast %add3A_19 : i32 to vector<1024x1024xi32>
    %add3A_21 = arith.addi %add3A_18, %add3A_20 : vector<1024x1024xi32>
    %shift_left3A = arith.constant 13 : i32
    %shift_left3A_22 = vector.broadcast %shift_left3A : i32 to vector<1024x1024xi32>
    %shift_left3A_23 = arith.shli %add3A_21, %shift_left3A_22 : vector<1024x1024xi32>
    %shift_right_logical3A = arith.constant 19 : i32
    %shift_right_logical3A_24 = vector.broadcast %shift_right_logical3A : i32 to vector<1024x1024xi32>
    %shift_right_logical3A_25 = arith.shrui %add3A_21, %shift_right_logical3A_24 : vector<1024x1024xi32>
    %or3A = arith.ori %shift_left3A_23, %shift_right_logical3A_25 : vector<1024x1024xi32>
    %xor3A = arith.xori %add3A_21, %or3A : vector<1024x1024xi32>
    %add3A_26 = arith.addi %add3A_21, %xor3A : vector<1024x1024xi32>
    %shift_left3A_27 = arith.constant 15 : i32
    %shift_left3A_28 = vector.broadcast %shift_left3A_27 : i32 to vector<1024x1024xi32>
    %shift_left3A_29 = arith.shli %xor3A, %shift_left3A_28 : vector<1024x1024xi32>
    %shift_right_logical3A_30 = arith.constant 17 : i32
    %shift_right_logical3A_31 = vector.broadcast %shift_right_logical3A_30 : i32 to vector<1024x1024xi32>
    %shift_right_logical3A_32 = arith.shrui %xor3A, %shift_right_logical3A_31 : vector<1024x1024xi32>
    %or3A_33 = arith.ori %shift_left3A_29, %shift_right_logical3A_32 : vector<1024x1024xi32>
    %xor3A_34 = arith.xori %add3A_26, %or3A_33 : vector<1024x1024xi32>
    %add3A_35 = arith.addi %add3A_26, %xor3A_34 : vector<1024x1024xi32>
    %shift_left3A_36 = arith.constant 26 : i32
    %shift_left3A_37 = vector.broadcast %shift_left3A_36 : i32 to vector<1024x1024xi32>
    %shift_left3A_38 = arith.shli %xor3A_34, %shift_left3A_37 : vector<1024x1024xi32>
    %shift_right_logical3A_39 = arith.constant 6 : i32
    %shift_right_logical3A_40 = vector.broadcast %shift_right_logical3A_39 : i32 to vector<1024x1024xi32>
    %shift_right_logical3A_41 = arith.shrui %xor3A_34, %shift_right_logical3A_40 : vector<1024x1024xi32>
    %or3A_42 = arith.ori %shift_left3A_38, %shift_right_logical3A_41 : vector<1024x1024xi32>
    %xor3A_43 = arith.xori %add3A_35, %or3A_42 : vector<1024x1024xi32>
    %add3A_44 = arith.addi %add3A_35, %xor3A_43 : vector<1024x1024xi32>
    %shift_left3A_45 = arith.constant 6 : i32
    %shift_left3A_46 = vector.broadcast %shift_left3A_45 : i32 to vector<1024x1024xi32>
    %shift_left3A_47 = arith.shli %xor3A_43, %shift_left3A_46 : vector<1024x1024xi32>
    %shift_right_logical3A_48 = arith.constant 26 : i32
    %shift_right_logical3A_49 = vector.broadcast %shift_right_logical3A_48 : i32 to vector<1024x1024xi32>
    %shift_right_logical3A_50 = arith.shrui %xor3A_43, %shift_right_logical3A_49 : vector<1024x1024xi32>
    %or3A_51 = arith.ori %shift_left3A_47, %shift_right_logical3A_50 : vector<1024x1024xi32>
    %xor3A_52 = arith.xori %add3A_44, %or3A_51 : vector<1024x1024xi32>
    %add3A_53 = arith.constant 42 : i32
    %add3A_54 = vector.broadcast %add3A_53 : i32 to vector<1024x1024xi32>
    %add3A_55 = arith.addi %add3A_44, %add3A_54 : vector<1024x1024xi32>
    %add3A_56 = arith.constant 466689008 : i32
    %add3A_57 = vector.broadcast %add3A_56 : i32 to vector<1024x1024xi32>
    %add3A_58 = arith.addi %xor3A_52, %add3A_57 : vector<1024x1024xi32>
    %add3A_59 = arith.constant 1 : i32
    %add3A_60 = vector.broadcast %add3A_59 : i32 to vector<1024x1024xi32>
    %add3A_61 = arith.addi %add3A_58, %add3A_60 : vector<1024x1024xi32>
    %add3A_62 = arith.addi %add3A_55, %add3A_61 : vector<1024x1024xi32>
    %shift_left3A_63 = arith.constant 17 : i32
    %shift_left3A_64 = vector.broadcast %shift_left3A_63 : i32 to vector<1024x1024xi32>
    %shift_left3A_65 = arith.shli %add3A_61, %shift_left3A_64 : vector<1024x1024xi32>
    %shift_right_logical3A_66 = arith.constant 15 : i32
    %shift_right_logical3A_67 = vector.broadcast %shift_right_logical3A_66 : i32 to vector<1024x1024xi32>
    %shift_right_logical3A_68 = arith.shrui %add3A_61, %shift_right_logical3A_67 : vector<1024x1024xi32>
    %or3A_69 = arith.ori %shift_left3A_65, %shift_right_logical3A_68 : vector<1024x1024xi32>
    %xor3A_70 = arith.xori %add3A_62, %or3A_69 : vector<1024x1024xi32>
    %add3A_71 = arith.addi %add3A_62, %xor3A_70 : vector<1024x1024xi32>
    %shift_left3A_72 = arith.constant 29 : i32
    %shift_left3A_73 = vector.broadcast %shift_left3A_72 : i32 to vector<1024x1024xi32>
    %shift_left3A_74 = arith.shli %xor3A_70, %shift_left3A_73 : vector<1024x1024xi32>
    %shift_right_logical3A_75 = arith.constant 3 : i32
    %shift_right_logical3A_76 = vector.broadcast %shift_right_logical3A_75 : i32 to vector<1024x1024xi32>
    %shift_right_logical3A_77 = arith.shrui %xor3A_70, %shift_right_logical3A_76 : vector<1024x1024xi32>
    %or3A_78 = arith.ori %shift_left3A_74, %shift_right_logical3A_77 : vector<1024x1024xi32>
    %xor3A_79 = arith.xori %add3A_71, %or3A_78 : vector<1024x1024xi32>
    %add3A_80 = arith.addi %add3A_71, %xor3A_79 : vector<1024x1024xi32>
    %shift_left3A_81 = arith.constant 16 : i32
    %shift_left3A_82 = vector.broadcast %shift_left3A_81 : i32 to vector<1024x1024xi32>
    %shift_left3A_83 = arith.shli %xor3A_79, %shift_left3A_82 : vector<1024x1024xi32>
    %shift_right_logical3A_84 = arith.constant 16 : i32
    %shift_right_logical3A_85 = vector.broadcast %shift_right_logical3A_84 : i32 to vector<1024x1024xi32>
    %shift_right_logical3A_86 = arith.shrui %xor3A_79, %shift_right_logical3A_85 : vector<1024x1024xi32>
    %or3A_87 = arith.ori %shift_left3A_83, %shift_right_logical3A_86 : vector<1024x1024xi32>
    %xor3A_88 = arith.xori %add3A_80, %or3A_87 : vector<1024x1024xi32>
    %add3A_89 = arith.addi %add3A_80, %xor3A_88 : vector<1024x1024xi32>
    %shift_left3A_90 = arith.constant 24 : i32
    %shift_left3A_91 = vector.broadcast %shift_left3A_90 : i32 to vector<1024x1024xi32>
    %shift_left3A_92 = arith.shli %xor3A_88, %shift_left3A_91 : vector<1024x1024xi32>
    %shift_right_logical3A_93 = arith.constant 8 : i32
    %shift_right_logical3A_94 = vector.broadcast %shift_right_logical3A_93 : i32 to vector<1024x1024xi32>
    %shift_right_logical3A_95 = arith.shrui %xor3A_88, %shift_right_logical3A_94 : vector<1024x1024xi32>
    %or3A_96 = arith.ori %shift_left3A_92, %shift_right_logical3A_95 : vector<1024x1024xi32>
    %xor3A_97 = arith.xori %add3A_89, %or3A_96 : vector<1024x1024xi32>
    %add3A_98 = arith.constant 466689008 : i32
    %add3A_99 = vector.broadcast %add3A_98 : i32 to vector<1024x1024xi32>
    %add3A_100 = arith.addi %add3A_89, %add3A_99 : vector<1024x1024xi32>
    %add3A_101 = arith.constant 0 : i32
    %add3A_102 = vector.broadcast %add3A_101 : i32 to vector<1024x1024xi32>
    %add3A_103 = arith.addi %xor3A_97, %add3A_102 : vector<1024x1024xi32>
    %add3A_104 = arith.constant 2 : i32
    %add3A_105 = vector.broadcast %add3A_104 : i32 to vector<1024x1024xi32>
    %add3A_106 = arith.addi %add3A_103, %add3A_105 : vector<1024x1024xi32>
    %add3A_107 = arith.addi %add3A_100, %add3A_106 : vector<1024x1024xi32>
    %shift_left3A_108 = arith.constant 13 : i32
    %shift_left3A_109 = vector.broadcast %shift_left3A_108 : i32 to vector<1024x1024xi32>
    %shift_left3A_110 = arith.shli %add3A_106, %shift_left3A_109 : vector<1024x1024xi32>
    %shift_right_logical3A_111 = arith.constant 19 : i32
    %shift_right_logical3A_112 = vector.broadcast %shift_right_logical3A_111 : i32 to vector<1024x1024xi32>
    %shift_right_logical3A_113 = arith.shrui %add3A_106, %shift_right_logical3A_112 : vector<1024x1024xi32>
    %or3A_114 = arith.ori %shift_left3A_110, %shift_right_logical3A_113 : vector<1024x1024xi32>
    %xor3A_115 = arith.xori %add3A_107, %or3A_114 : vector<1024x1024xi32>
    %add3A_116 = arith.addi %add3A_107, %xor3A_115 : vector<1024x1024xi32>
    %shift_left3A_117 = arith.constant 15 : i32
    %shift_left3A_118 = vector.broadcast %shift_left3A_117 : i32 to vector<1024x1024xi32>
    %shift_left3A_119 = arith.shli %xor3A_115, %shift_left3A_118 : vector<1024x1024xi32>
    %shift_right_logical3A_120 = arith.constant 17 : i32
    %shift_right_logical3A_121 = vector.broadcast %shift_right_logical3A_120 : i32 to vector<1024x1024xi32>
    %shift_right_logical3A_122 = arith.shrui %xor3A_115, %shift_right_logical3A_121 : vector<1024x1024xi32>
    %or3A_123 = arith.ori %shift_left3A_119, %shift_right_logical3A_122 : vector<1024x1024xi32>
    %xor3A_124 = arith.xori %add3A_116, %or3A_123 : vector<1024x1024xi32>
    %add3A_125 = arith.addi %add3A_116, %xor3A_124 : vector<1024x1024xi32>
    %shift_left3A_126 = arith.constant 26 : i32
    %shift_left3A_127 = vector.broadcast %shift_left3A_126 : i32 to vector<1024x1024xi32>
    %shift_left3A_128 = arith.shli %xor3A_124, %shift_left3A_127 : vector<1024x1024xi32>
    %shift_right_logical3A_129 = arith.constant 6 : i32
    %shift_right_logical3A_130 = vector.broadcast %shift_right_logical3A_129 : i32 to vector<1024x1024xi32>
    %shift_right_logical3A_131 = arith.shrui %xor3A_124, %shift_right_logical3A_130 : vector<1024x1024xi32>
    %or3A_132 = arith.ori %shift_left3A_128, %shift_right_logical3A_131 : vector<1024x1024xi32>
    %xor3A_133 = arith.xori %add3A_125, %or3A_132 : vector<1024x1024xi32>
    %add3A_134 = arith.addi %add3A_125, %xor3A_133 : vector<1024x1024xi32>
    %shift_left3A_135 = arith.constant 6 : i32
    %shift_left3A_136 = vector.broadcast %shift_left3A_135 : i32 to vector<1024x1024xi32>
    %shift_left3A_137 = arith.shli %xor3A_133, %shift_left3A_136 : vector<1024x1024xi32>
    %shift_right_logical3A_138 = arith.constant 26 : i32
    %shift_right_logical3A_139 = vector.broadcast %shift_right_logical3A_138 : i32 to vector<1024x1024xi32>
    %shift_right_logical3A_140 = arith.shrui %xor3A_133, %shift_right_logical3A_139 : vector<1024x1024xi32>
    %or3A_141 = arith.ori %shift_left3A_137, %shift_right_logical3A_140 : vector<1024x1024xi32>
    %xor3A_142 = arith.xori %add3A_134, %or3A_141 : vector<1024x1024xi32>
    %add3A_143 = arith.constant 0 : i32
    %add3A_144 = vector.broadcast %add3A_143 : i32 to vector<1024x1024xi32>
    %add3A_145 = arith.addi %add3A_134, %add3A_144 : vector<1024x1024xi32>
    %add3A_146 = arith.constant 42 : i32
    %add3A_147 = vector.broadcast %add3A_146 : i32 to vector<1024x1024xi32>
    %add3A_148 = arith.addi %xor3A_142, %add3A_147 : vector<1024x1024xi32>
    %add3A_149 = arith.constant 3 : i32
    %add3A_150 = vector.broadcast %add3A_149 : i32 to vector<1024x1024xi32>
    %add3A_151 = arith.addi %add3A_148, %add3A_150 : vector<1024x1024xi32>
    %add3A_152 = arith.addi %add3A_145, %add3A_151 : vector<1024x1024xi32>
    %shift_left3A_153 = arith.constant 17 : i32
    %shift_left3A_154 = vector.broadcast %shift_left3A_153 : i32 to vector<1024x1024xi32>
    %shift_left3A_155 = arith.shli %add3A_151, %shift_left3A_154 : vector<1024x1024xi32>
    %shift_right_logical3A_156 = arith.constant 15 : i32
    %shift_right_logical3A_157 = vector.broadcast %shift_right_logical3A_156 : i32 to vector<1024x1024xi32>
    %shift_right_logical3A_158 = arith.shrui %add3A_151, %shift_right_logical3A_157 : vector<1024x1024xi32>
    %or3A_159 = arith.ori %shift_left3A_155, %shift_right_logical3A_158 : vector<1024x1024xi32>
    %xor3A_160 = arith.xori %add3A_152, %or3A_159 : vector<1024x1024xi32>
    %add3A_161 = arith.addi %add3A_152, %xor3A_160 : vector<1024x1024xi32>
    %shift_left3A_162 = arith.constant 29 : i32
    %shift_left3A_163 = vector.broadcast %shift_left3A_162 : i32 to vector<1024x1024xi32>
    %shift_left3A_164 = arith.shli %xor3A_160, %shift_left3A_163 : vector<1024x1024xi32>
    %shift_right_logical3A_165 = arith.constant 3 : i32
    %shift_right_logical3A_166 = vector.broadcast %shift_right_logical3A_165 : i32 to vector<1024x1024xi32>
    %shift_right_logical3A_167 = arith.shrui %xor3A_160, %shift_right_logical3A_166 : vector<1024x1024xi32>
    %or3A_168 = arith.ori %shift_left3A_164, %shift_right_logical3A_167 : vector<1024x1024xi32>
    %xor3A_169 = arith.xori %add3A_161, %or3A_168 : vector<1024x1024xi32>
    %add3A_170 = arith.addi %add3A_161, %xor3A_169 : vector<1024x1024xi32>
    %shift_left3A_171 = arith.constant 16 : i32
    %shift_left3A_172 = vector.broadcast %shift_left3A_171 : i32 to vector<1024x1024xi32>
    %shift_left3A_173 = arith.shli %xor3A_169, %shift_left3A_172 : vector<1024x1024xi32>
    %shift_right_logical3A_174 = arith.constant 16 : i32
    %shift_right_logical3A_175 = vector.broadcast %shift_right_logical3A_174 : i32 to vector<1024x1024xi32>
    %shift_right_logical3A_176 = arith.shrui %xor3A_169, %shift_right_logical3A_175 : vector<1024x1024xi32>
    %or3A_177 = arith.ori %shift_left3A_173, %shift_right_logical3A_176 : vector<1024x1024xi32>
    %xor3A_178 = arith.xori %add3A_170, %or3A_177 : vector<1024x1024xi32>
    %add3A_179 = arith.addi %add3A_170, %xor3A_178 : vector<1024x1024xi32>
    %shift_left3A_180 = arith.constant 24 : i32
    %shift_left3A_181 = vector.broadcast %shift_left3A_180 : i32 to vector<1024x1024xi32>
    %shift_left3A_182 = arith.shli %xor3A_178, %shift_left3A_181 : vector<1024x1024xi32>
    %shift_right_logical3A_183 = arith.constant 8 : i32
    %shift_right_logical3A_184 = vector.broadcast %shift_right_logical3A_183 : i32 to vector<1024x1024xi32>
    %shift_right_logical3A_185 = arith.shrui %xor3A_178, %shift_right_logical3A_184 : vector<1024x1024xi32>
    %or3A_186 = arith.ori %shift_left3A_182, %shift_right_logical3A_185 : vector<1024x1024xi32>
    %xor3A_187 = arith.xori %add3A_179, %or3A_186 : vector<1024x1024xi32>
    %add3A_188 = arith.constant 42 : i32
    %add3A_189 = vector.broadcast %add3A_188 : i32 to vector<1024x1024xi32>
    %add3A_190 = arith.addi %add3A_179, %add3A_189 : vector<1024x1024xi32>
    %add3A_191 = arith.constant 466689008 : i32
    %add3A_192 = vector.broadcast %add3A_191 : i32 to vector<1024x1024xi32>
    %add3A_193 = arith.addi %xor3A_187, %add3A_192 : vector<1024x1024xi32>
    %add3A_194 = arith.constant 4 : i32
    %add3A_195 = vector.broadcast %add3A_194 : i32 to vector<1024x1024xi32>
    %add3A_196 = arith.addi %add3A_193, %add3A_195 : vector<1024x1024xi32>
    %add3A_197 = arith.addi %add3A_190, %add3A_196 : vector<1024x1024xi32>
    %shift_left3A_198 = arith.constant 13 : i32
    %shift_left3A_199 = vector.broadcast %shift_left3A_198 : i32 to vector<1024x1024xi32>
    %shift_left3A_200 = arith.shli %add3A_196, %shift_left3A_199 : vector<1024x1024xi32>
    %shift_right_logical3A_201 = arith.constant 19 : i32
    %shift_right_logical3A_202 = vector.broadcast %shift_right_logical3A_201 : i32 to vector<1024x1024xi32>
    %shift_right_logical3A_203 = arith.shrui %add3A_196, %shift_right_logical3A_202 : vector<1024x1024xi32>
    %or3A_204 = arith.ori %shift_left3A_200, %shift_right_logical3A_203 : vector<1024x1024xi32>
    %xor3A_205 = arith.xori %add3A_197, %or3A_204 : vector<1024x1024xi32>
    %add3A_206 = arith.addi %add3A_197, %xor3A_205 : vector<1024x1024xi32>
    %shift_left3A_207 = arith.constant 15 : i32
    %shift_left3A_208 = vector.broadcast %shift_left3A_207 : i32 to vector<1024x1024xi32>
    %shift_left3A_209 = arith.shli %xor3A_205, %shift_left3A_208 : vector<1024x1024xi32>
    %shift_right_logical3A_210 = arith.constant 17 : i32
    %shift_right_logical3A_211 = vector.broadcast %shift_right_logical3A_210 : i32 to vector<1024x1024xi32>
    %shift_right_logical3A_212 = arith.shrui %xor3A_205, %shift_right_logical3A_211 : vector<1024x1024xi32>
    %or3A_213 = arith.ori %shift_left3A_209, %shift_right_logical3A_212 : vector<1024x1024xi32>
    %xor3A_214 = arith.xori %add3A_206, %or3A_213 : vector<1024x1024xi32>
    %add3A_215 = arith.addi %add3A_206, %xor3A_214 : vector<1024x1024xi32>
    %shift_left3A_216 = arith.constant 26 : i32
    %shift_left3A_217 = vector.broadcast %shift_left3A_216 : i32 to vector<1024x1024xi32>
    %shift_left3A_218 = arith.shli %xor3A_214, %shift_left3A_217 : vector<1024x1024xi32>
    %shift_right_logical3A_219 = arith.constant 6 : i32
    %shift_right_logical3A_220 = vector.broadcast %shift_right_logical3A_219 : i32 to vector<1024x1024xi32>
    %shift_right_logical3A_221 = arith.shrui %xor3A_214, %shift_right_logical3A_220 : vector<1024x1024xi32>
    %or3A_222 = arith.ori %shift_left3A_218, %shift_right_logical3A_221 : vector<1024x1024xi32>
    %xor3A_223 = arith.xori %add3A_215, %or3A_222 : vector<1024x1024xi32>
    %add3A_224 = arith.addi %add3A_215, %xor3A_223 : vector<1024x1024xi32>
    %shift_left3A_225 = arith.constant 6 : i32
    %shift_left3A_226 = vector.broadcast %shift_left3A_225 : i32 to vector<1024x1024xi32>
    %shift_left3A_227 = arith.shli %xor3A_223, %shift_left3A_226 : vector<1024x1024xi32>
    %shift_right_logical3A_228 = arith.constant 26 : i32
    %shift_right_logical3A_229 = vector.broadcast %shift_right_logical3A_228 : i32 to vector<1024x1024xi32>
    %shift_right_logical3A_230 = arith.shrui %xor3A_223, %shift_right_logical3A_229 : vector<1024x1024xi32>
    %or3A_231 = arith.ori %shift_left3A_227, %shift_right_logical3A_230 : vector<1024x1024xi32>
    %xor3A_232 = arith.xori %add3A_224, %or3A_231 : vector<1024x1024xi32>
    %add3A_233 = arith.constant 466689008 : i32
    %add3A_234 = vector.broadcast %add3A_233 : i32 to vector<1024x1024xi32>
    %add3A_235 = arith.addi %add3A_224, %add3A_234 : vector<1024x1024xi32>
    %add3A_236 = arith.constant 0 : i32
    %add3A_237 = vector.broadcast %add3A_236 : i32 to vector<1024x1024xi32>
    %add3A_238 = arith.addi %xor3A_232, %add3A_237 : vector<1024x1024xi32>
    %add3A_239 = arith.constant 5 : i32
    %add3A_240 = vector.broadcast %add3A_239 : i32 to vector<1024x1024xi32>
    %add3A_241 = arith.addi %add3A_238, %add3A_240 : vector<1024x1024xi32>
    %xor3A_242 = arith.xori %add3A_235, %add3A_241 : vector<1024x1024xi32>
    %shift_right_logical3A_243 = arith.constant 9 : i32
    %shift_right_logical3A_244 = vector.broadcast %shift_right_logical3A_243 : i32 to vector<1024x1024xi32>
    %shift_right_logical3A_245 = arith.shrui %xor3A_242, %shift_right_logical3A_244 : vector<1024x1024xi32>
    %or3A_246 = arith.constant 1065353216 : i32
    %or3A_247 = vector.broadcast %or3A_246 : i32 to vector<1024x1024xi32>
    %or3A_248 = arith.ori %shift_right_logical3A_245, %or3A_247 : vector<1024x1024xi32>
    %bitcast_convert_type3A = tpu.bitcast %or3A_248 : vector<1024x1024xi32> -> vector<1024x1024xf32>
    %sub3A = arith.constant 1.000000e+00 : f32
    %sub3A_249 = vector.broadcast %sub3A : f32 to vector<1024x1024xf32>
    %sub3A_250 = arith.subf %bitcast_convert_type3A, %sub3A_249 : vector<1024x1024xf32>
    %add3A_251 = arith.constant 1.000000e-10 : f32
    %add3A_252 = vector.broadcast %add3A_251 : f32 to vector<1024x1024xf32>
    %add3A_253 = arith.addf %sub3A_250, %add3A_252 : vector<1024x1024xf32>
    %log3A = math.log %add3A_253 : vector<1024x1024xf32>
    %neg3A = arith.constant 0.000000e+00 : f32
    %neg3A_254 = vector.broadcast %neg3A : f32 to vector<1024x1024xf32>
    %neg3A_255 = arith.subf %neg3A_254, %log3A : vector<1024x1024xf32>
    %log3A_256 = math.log %neg3A_255 : vector<1024x1024xf32>
    %neg3A_257 = arith.constant 0.000000e+00 : f32
    %neg3A_258 = vector.broadcast %neg3A_257 : f32 to vector<1024x1024xf32>
    %neg3A_259 = arith.subf %neg3A_258, %log3A_256 : vector<1024x1024xf32>
    %add3A_260 = arith.addf %dot_general3A_11, %neg3A_259 : vector<1024x1024xf32>
    %exp3A = math.exp %add3A_260 : vector<1024x1024xf32>
    %reduce_sum3A = arith.constant dense<0.000000e+00> : vector<1024xf32>
    %reduce_sum3A_261 = vector.multi_reduction <add>, %exp3A, %reduce_sum3A [1] : vector<1024x1024xf32> to vector<1024xf32>
    %broadcast_in_dim3A_262 = vector.shape_cast %reduce_sum3A_261 : vector<1024xf32> to vector<1024x1xf32>
    %div3A = arith.constant 1.000000e+00 : f32
    %div3A_263 = vector.broadcast %div3A : f32 to vector<1024x1xf32>
    %div3A_264 = arith.divf %div3A_263, %broadcast_in_dim3A_262 : vector<1024x1xf32>
    %mul3A_265 = vector.broadcast %div3A_264 : vector<1024x1xf32> to vector<1024x1024xf32>
    %mul3A_266 = arith.mulf %exp3A, %mul3A_265 : vector<1024x1024xf32>
    %swap3A = arith.constant 0 : index
    %swap3A_267 = arith.constant 0 : index
    %swap3A_268 = vector.load %arg4[%swap3A, %swap3A_267] : memref<1024x1024xf32, #tpu.memory_space<vmem>>, vector<1024x1024xf32>
    tpu.vector_store %arg4[%swap3A, %swap3A_267], %mul3A_266 {strides = array<i32>} : memref<1024x1024xf32, #tpu.memory_space<vmem>>, vector<1024x1024xf32>,
    return
  }
  func.func @transform_0(%arg0: i32) -> (i32, i32, i32) {
    %add3A = arith.constant 4 : i32
    %add3A_0 = arith.addi %arg0, %add3A : i32
    %c0_i32 = arith.constant 0 : i32
    %c0_i32_1 = arith.constant 0 : i32
    %c0_i32_2 = arith.constant 0 : i32
    return %add3A_0, %c0_i32, %c0_i32_1 : i32, i32, i32
  }
  func.func @transform_1(%arg0: i32) -> (i32, i32) {
    %c0_i32 = arith.constant 0 : i32
    %c0_i32_0 = arith.constant 0 : i32
    %c0_i32_1 = arith.constant 0 : i32
    return %c0_i32, %c0_i32_0 : i32, i32
  }
  func.func @transform_2(%arg0: i32) -> (i32, i32) {
    %c0_i32 = arith.constant 0 : i32
    %c0_i32_0 = arith.constant 0 : i32
    %c0_i32_1 = arith.constant 0 : i32
    return %c0_i32, %c0_i32_0 : i32, i32
  }
  func.func @transform_3(%arg0: i32) -> (i32, i32) {
    %add3A = arith.constant 4 : i32
    %add3A_0 = arith.addi %arg0, %add3A : i32
    %c0_i32 = arith.constant 0 : i32
    %c0_i32_1 = arith.constant 0 : i32
    return %add3A_0, %c0_i32 : i32, i32
  }
}

</mosaic_0001>

<sc_bundles>
// kernel: kernel.5.cloned.1.call-start
scs
__scs_entry_jumppad:
0x0: {  	(pc) =	sbr.rel $0x88, $3  }
0x1: {  	(tag) =	ssettag $0x0;
	lr =	simm.s32 $0x1  }
0x2: {  	[smem:$0x3F9F] =	sst lr;
	_ =	strace $0xD0000000  }
0x3: {  	_ = 	snop  }
0x4: {  	_ = 	snop  }
0x5: {  	_ = 	snop  }
0x6: {  	_ = 	snop  }
0x7: {  	_ = 	snop  }
__scs_overlays_trampoline_lowered:
0x8: {  	[smem:$0x3FAE] =	sst s0  }
0x9: {  	[smem:$0x3FAF] =	sst s1  }
0xa: {  	[smem:$0x3FB0] =	sst s2  }
0xb: {  	[smem:$0x3FB1] =	sst s3  }
0xc: {  	[smem:$0x3FB2] =	sst s4  }
0xd: {  	[smem:$0x3FB3] =	sst s5  }
0xe: {  	[smem:$0x3FB4] =	sst s6  }
0xf: {  	[smem:$0x3FB5] =	sst s7  }
0x10: {  	[smem:$0x3FB6] =	sst s8  }
0x11: {  	[smem:$0x3FB7] =	sst s9;
	s0 =	simm.s32 @!p0 $0x0  }
0x12: {  	s1 =	sld [smem:$0x3F9D];
	s0 =	simm.s32 @p0 $0x1  }
0x13: {  	[smem:$0x3FB8] =	sst s0;
	s0 =	simm.s32 @!p1 $0x0  }
0x14: {  	s2 =	sld [smem:$0x3F9C];
	s0 =	simm.s32 @p1 $0x1  }
0x15: {  	[smem:$0x3FB9] =	sst s0;
	s0 =	simm.s32 @!p2 $0x0  }
0x16: {  	s3 =	sld [smem:$0x3FDB];
	s0 =	simm.s32 @p2 $0x1  }
0x17: {  	s4 =	simm.s32 $0x1BF5;
	[smem:$0x3FBB] =	sst s0  }
0x18: {  	s0 =	sld [smem:$0x3F9E];
	_ =	swait.ge [sflag:s4], $0x0  }
0x19: {  	s7 =	sld [smem:$0x3F9F]  }
0x1a: {  	s8 =	sadd.s32 $0xFFFFE003, lr  }
0x1b: {  	s9 =	sadd.s32 $0xFFFFFEF7, lr;
	s5 =	simm.s32 $0xFFFFFFFF;
	p2 =	slt.u32 s8, $0xFFFFF086  }
0x1c: {  	p1 =	slt.u32 s9, $0xF7A;
	s5 =	simm.s32 @!p2 $0x0  }
0x1d: {  	s5 =	simm.s32 @p1 $0x1;
	p0 =	seq.s32 s7, s2  }
0x1e: {  	s7 =	smul.u32 @!p0 $0xF7A, s2;
	p2 =	seq.s32 @!p0 s5, $0x0  }
0x1f: {  	s9 =	smul.u32 $0xF7A, s1;
	s8 =	simm.s32 @!p0 $0x1BF5;
	p2 =	por !p2, p0  }
0x20: {  	[sflag:s8] =	ssyncset.s32 @!p0 $0xFFFFF086;
	s6 =	sadd.s32 @!p0 s3, s7;
	s7 =	simm.s32 @!p0 $0x108  }
0x21: {  	s3 =	sadd.s32 s3, s9;
	s6 =	sadd.s32 @!p0 $0x88, s6;
	s7 =	simm.s32 @p2 $0x1082  }
0x22: {  	[simem:s7], [sflag:s8] =	dma.local @!p0 [hbm:s6], $0xF7A  }
0x23: {  	s9 =	sor.u32 $0xD0000000, s2;
	s6 =	simm.s32 $0x108;
	_ =	swait.ge @!p0 [sflag:s8], $0x0  }
0x24: {  	s3 =	sadd.s32 $0x88, s3;
	s6 =	simm.s32 @!p1 $0x1082;
	[sflag:s4] =	ssyncset.s32 $0xFFFFF086  }
0x25: {  	[simem:s6], [sflag:s4] =	dma.local [hbm:s3], $0xF7A  }
0x26: {  	[smem:$0x3F9F] =	sst s1;
	(tag) =	ssettag s2;
	_ =	strace s9  }
0x27: {  	s1 =	sld [smem:$0x3FAF]  }
0x28: {  	s2 =	sld [smem:$0x3FB0]  }
0x29: {  	s4 =	sld [smem:$0x3FB2]  }
0x2a: {  	p0 =	seq.s32 s5, $0x0;
	s5 =	sld [smem:$0x3FB3]  }
0x2b: {  	s6 =	sld [smem:$0x3FB4]  }
0x2c: {  	s7 =	sld [smem:$0x3FB5]  }
0x2d: {  	s3 =	simm.s32 $0x108;
	s8 =	sld [smem:$0x3FB6]  }
0x2e: {  	s3 =	simm.s32 @!p0 $0x1082;
	s9 =	sld [smem:$0x3FB7]  }
0x2f: {  	lr =	sadd.s32 s0, s3;
	s0 =	sld [smem:$0x3FAE]  }
0x30: {  	s3 =	sld [smem:$0x3FB1]  }
0x31: {  	[smem:$0x3FBA] =	sst s10  }
0x32: {  	s10 =	sld [smem:$0x3FB8];
	_ =	sdelay $0x3  }
0x33: {  	p0 =	seq.s32 s10, $0x1;
	s10 =	sld [smem:$0x3FBA];
	_ =	sdelay $0x3  }
0x34: {  	[smem:$0x3FBA] =	sst s10  }
0x35: {  	s10 =	sld [smem:$0x3FB9];
	_ =	sdelay $0x3  }
0x36: {  	p1 =	seq.s32 s10, $0x1;
	s10 =	sld [smem:$0x3FBA];
	_ =	sdelay $0x3  }
0x37: {  	[smem:$0x3FBA] =	sst s10  }
0x38: {  	s10 =	sld [smem:$0x3FBB]  }
0x39: {  	_ = 	snop;
	(pc) =	sbr.ind lr, $3  }
0x3a: {  	_ = 	snop  }
0x3b: {  	_ = 	snop  }
0x3c: {  	p2 =	seq.s32 s10, $0x1;
	s10 =	sld [smem:$0x3FBA]  }
0x3d: {  	_ =	shalt  }
0x3e: {  	_ =	shalt  }
0x3f: {  	_ =	shalt  }
0x40: {  	_ =	shalt  }
0x41: {  	_ =	shalt  }
0x42: {  	_ =	shalt  }
0x43: {  	_ =	shalt  }
0x44: {  	_ =	shalt  }
0x45: {  	_ =	shalt  }
0x46: {  	_ =	shalt  }
0x47: {  	_ =	shalt  }
0x48: {  	_ =	shalt  }
0x49: {  	_ =	shalt  }
0x4a: {  	_ =	shalt  }
0x4b: {  	_ =	shalt  }
0x4c: {  	_ =	shalt  }
0x4d: {  	_ =	shalt  }
0x4e: {  	_ =	shalt  }
0x4f: {  	_ =	shalt  }
0x50: {  	_ =	shalt  }
0x51: {  	_ =	shalt  }
0x52: {  	_ =	shalt  }
0x53: {  	_ =	shalt  }
0x54: {  	_ =	shalt  }
0x55: {  	_ =	shalt  }
0x56: {  	_ =	shalt  }
0x57: {  	_ =	shalt  }
0x58: {  	_ =	shalt  }
0x59: {  	_ =	shalt  }
0x5a: {  	_ =	shalt  }
0x5b: {  	_ =	shalt  }
0x5c: {  	_ =	shalt  }
0x5d: {  	_ =	shalt  }
0x5e: {  	_ =	shalt  }
0x5f: {  	_ =	shalt  }
0x60: {  	_ =	shalt  }
0x61: {  	_ =	shalt  }
0x62: {  	_ =	shalt  }
0x63: {  	_ =	shalt  }
0x64: {  	_ =	shalt  }
0x65: {  	_ =	shalt  }
0x66: {  	_ =	shalt  }
0x67: {  	_ =	shalt  }
0x68: {  	_ =	shalt  }
0x69: {  	_ =	shalt  }
0x6a: {  	_ =	shalt  }
0x6b: {  	_ =	shalt  }
0x6c: {  	_ =	shalt  }
0x6d: {  	_ =	shalt  }
0x6e: {  	_ =	shalt  }
0x6f: {  	_ =	shalt  }
0x70: {  	_ =	shalt  }
0x71: {  	_ =	shalt  }
0x72: {  	_ =	shalt  }
0x73: {  	_ =	shalt  }
0x74: {  	_ =	shalt  }
0x75: {  	_ =	shalt  }
0x76: {  	_ =	shalt  }
0x77: {  	_ =	shalt  }
0x78: {  	_ =	shalt  }
0x79: {  	_ =	shalt  }
0x7a: {  	_ =	shalt  }
0x7b: {  	_ =	shalt  }
0x7c: {  	_ =	shalt  }
0x7d: {  	_ =	shalt  }
0x7e: {  	_ =	shalt  }
0x7f: {  	_ =	shalt  }
0x80: {  	_ =	shalt  }
0x81: {  	_ =	shalt  }
0x82: {  	_ =	shalt  }
0x83: {  	_ =	shalt  }
0x84: {  	_ =	shalt  }
0x85: {  	_ =	shalt  }
0x86: {  	_ =	shalt  }
0x87: {  	_ =	shalt  }
.Lfunc_end0:
.L_simem_size_0:
called_computation_lowered:
.L_overlay_start_0:
0x88: {  	s2 =	sld [smem:$0x3FD9]  }
0x89: {  	s3 =	sld [smem:$0x3FFE];
	_ =	sdelay $0x1  }
0x8a: {  	s1 =	srdreg.scid  }
0x8b: {  	s0 =	sand.u32 $0x1, s1  }
0x8c: {  	s16 =	sshll.u32 s0, $0xA;
	s2 =	sadd.s32 s3, s2  }
0x8d: {  	s2 =	sadd.s32 s2, s16  }
0x8e: {  	[smem:$0x3FC6] =	sst s2  }
0x8f: {  	_ = 	snop  }
0x90: {  	(tm) =	ssettm $0x1  }
0x91: {  	s17 =	sld [smem:$0x3FFB];
	_ =	sdelay $0x3  }
0x92: {  	_ =	strace s17  }
0x93: {  	s2 =	sld [smem:$0x3FFC];
	_ =	sdelay $0x3  }
0x94: {  	_ =	strace s2  }
0x95: {  	s2 =	sld [smem:$0x3FFD];
	_ =	sdelay $0x3  }
0x96: {  	_ =	strace s2  }
0x97: {  	_ =	strace $0x8FFFFFFF  }
0x98: {  	s18 =	sld [smem:$0x3FDB];
	_ =	sdelay $0x1  }
0x99: {  	s19 =	simm.s32 $_scs_section_size  }
0x9a: {  	s4 =	simm.s32 $_size__tile_overlayer_lowered;
	s5 =	simm.s32 $_tile_overlayer_lowered  }
0x9b: {  	s22 =	simm.s32 $0x1BFF;
	s21 =	sshll.u32 s5, $0x1;
	s2 =	sadd.s32 s19, s18  }
0x9c: {  	s6 =	simm.s32 $0x0;
	s20 =	sshll.u32 s4, $0x1;
	s4 =	sadd.s32 s21, s2  }
0x9d: {  	[timem:s6], [sflag:s22] =	dma.local [hbm:s4], s20  }
0x9e: {  	_ =	swait.ge [sflag:s22], s20  }
0x9f: {  	s3 =	ssub.s32 $0x0, s20;
	[sflag:s22] =	ssyncset.done $0x0  }
0xa0: {  	[sflag:s22] =	ssyncadd.s32 s3;
	_ =	sdelay $0x1  }
0xa1: {  	s23 =	simm.s32 $0x1B8B  }
0xa2: {  	_ =	swait.ge [sflag:s23], $0x1  }
0xa3: {  	[sflag:s23] =	ssyncset.done $0x0  }
0xa4: {  	s25 =	simm.s32 $0x1B8E;
	s24 =	sld [smem:$0x3FFE];
	[sflag:s23] =	ssyncadd.s32 $0xFFFFFFFF  }
0xa5: {  	s26 =	simm.s32 $execute0_lowered;
	[smem:$0x3FD2] =	sst s25  }
0xa6: {  	s4 =	sshll.u32 s26, $0x1;
	_ =	strace $0x80000046;
	[dreg:$0x1] =	wrdreg $0xFFFFFFFF  }
0xa7: {  	s28 =	simm.s32 $_size_execute0_lowered;
	s2 =	sadd.s32 s2, s4;
	[dreg:$0x0] =	wrdreg $0x0  }
0xa8: {  	s4 =	sshll.u32 s28, $0x1;
	[dreg:$0x2] =	wrdreg s2  }
0xa9: {  	[dreg:$0x3] =	wrdreg s4  }
0xaa: {  	[dreg:$0x4] =	wrdreg $0xC0  }
0xab: {  	_ =	task [dreg:s6], $0x5FFFF  }
0xac: {  	[dreg:$0x1] =	wrdreg $0xFFFFFFFF  }
0xad: {  	[dreg:$0x0] =	wrdreg $0x60  }
0xae: {  	[dreg:$0x2] =	wrdreg s24  }
0xaf: {  	[dreg:$0x3] =	wrdreg $0x9  }
0xb0: {  	_ =	task.clear_ibuf [dreg:s6], $0x4FFFF;
	_ =	strace $0x90000046  }
0xb1: {  	s29 =	simm.s32 $0x9;
	_ =	strace $0x80000048  }
0xb2: {  	_ =	swait.ge [sflag:s29], $0x1  }
0xb3: {  	[sflag:s29] =	ssyncadd.s32 $0xFFFFFFFF  }
0xb4: {  	_ =	strace $0x90000048  }
0xb5: {  	_ =	sfence  }
0xb6: {  	s30 =	sld [smem:$0x0];
	_ =	sdelay $0x2  }
0xb7: {  	s31 =	sshll.u32 s1, $0xD;
	s1 =	sshrl.u32 s1, $0x2  }
0xb8: {  	s3 =	sand.u32 $0x4000, s31;
	s1 =	sadd.s32 s1, s30  }
0xb9: {  	s0 =	sor.u32 s3, s0;
	s1 =	sshll.u32 s1, $0x11  }
0xba: {  	s0 =	sor.u32 s1, s0  }
0xbb: {  	s0 =	sadd.s32 $0x8F2B, s0  }
0xbc: {  	[sflag:s0] =	ssyncadd.remote.s32 $0x1  }
0xbd: {  	_ =	sfence.sel $0xFFFF  }
0xbe: {  	[dreg:$0x0] =	wrdreg $0xFFFFFFFF;
	(pc) =	sbr.abs _section_cstart, $3  }
0xbf: {  	[dreg:$0x1] =	wrdreg $0xFFFFFFFF  }
0xc0: {  	_ =	task.clear_ibuf [dreg:s6], $0x2FFFF;
	_ =	strace $0x9FFFFFFF  }
0xc1: {  	(tm) =	ssettm $0x7FFFFFFF  }
tec
execute0_lowered:
.L_overlay_start_1:
0x0: {  	(tag) =	ssettag $0x1  }
0x1: {  	s3 =	rddreg [dreg:$0x0]  }
0x2: {  	s0 =	rddreg [dreg:$0x1];
	s1 =	simm.s32 $0x0;
	s2 =	srdreg.scid  }
0x3: {  	[smem:$0x7FF] =	sst s1;
	s4 =	sand.u32 $0x1, s2  }
0x4: {  	s2 =	stileid.u32;
	s3 =	sadd.s32 $0xA00, s3;
	s5 =	ssub.s32 $0x2, s4  }
0x5: {  	s7 =	sshll.u32 s2, $0x12;
	s4 =	sshll.u32 s4, $0x11;
	s6 =	sshrl.u32 s5, $0x1  }
0x6: {  	v0 =	vlaneseq.u32;
	_ =	strace $0x80000047;
	s4 =	sor.u32 s4, s7;
	s5 =	ssub.s32 s5, s6  }
0x7: {  	v0 =	vadd.s32 $0x2A, v0;
	s7 =	simm.s32 $0x0;
	s6 =	simm.s32 $0x1;
	s5 =	smax.u32 s5, $0x1  }
.LBB2_1:
0x8: {  	s8 =	smov.u32 s4;
	s9 =	simm.s32 $0x0  }
.LBB2_2:
0x9: {  	s10 =	sadd.s32 $0x0, s8  }
0xa: {  	v1 =	vadd.s32 s10, v0;
	s10 =	sadd.s32 $0x10, s10  }
0xb: {  	v2 =	vshrl.u32 v1, $0x13;
	v3 =	vadd.s32 s10, v0  }
0xc: {  	v4 =	vshll.u32 v1, $0xD;
	v5 =	vshrl.u32 v3, $0x13;
	v6 =	vshll.u32 v3, $0xD  }
0xd: {  	v2 =	vor.u32 v2, v4;
	v4 =	vor.u32 v5, v6  }
0xe: {  	v2 =	vxor.u32 v1, v2;
	v4 =	vxor.u32 v3, v4  }
0xf: {  	v5 =	vshrl.u32 v2, $0x11;
	v55 =	vshrl.u32 v4, $0x11;
	v7 =	vshll.u32 v4, $0xF  }
0x10: {  	v8 =	vshll.u32 v2, $0xF;
	v3 =	vadd.s32 v3, v4;
	v4 =	vor.u32 v55, v7  }
0x11: {  	v1 =	vadd.s32 v1, v2;
	v5 =	vor.u32 v5, v8;
	v2 =	vxor.u32 v4, v3  }
0x12: {  	v4 =	vxor.u32 v5, v1;
	v5 =	vshrl.u32 v2, $0x6;
	v56 =	vshll.u32 v2, $0x1A  }
0x13: {  	v57 =	vshrl.u32 v4, $0x6;
	v2 =	vadd.s32 v3, v2;
	v3 =	vor.u32 v5, v56  }
0x14: {  	v1 =	vadd.s32 v1, v4;
	v5 =	vshll.u32 v4, $0x1A;
	v3 =	vxor.u32 v3, v2  }
0x15: {  	v4 =	vor.u32 v57, v5;
	v5 =	vshrl.u32 v3, $0x1A;
	v58 =	vshll.u32 v3, $0x6  }
0x16: {  	v4 =	vxor.u32 v4, v1;
	v2 =	vadd.s32 v2, v3;
	v3 =	vor.u32 v5, v58  }
0x17: {  	v5 =	vshrl.u32 v4, $0x1A;
	v59 =	vshll.u32 v4, $0x6;
	v3 =	vxor.u32 v3, v2  }
0x18: {  	v1 =	vadd.s32 v1, v4;
	v4 =	vor.u32 v5, v59;
	v3 =	vadd.s32 $0x1BD11BF1, v3  }
0x19: {  	v2 =	vadd.s32 v3, v2;
	v5 =	vshrl.u32 v3, $0xF;
	v3 =	vshll.u32 v3, $0x11  }
0x1a: {  	v2 =	vadd.s32 $0x2A, v2;
	v3 =	vor.u32 v5, v3  }
0x1b: {  	v4 =	vxor.u32 v4, v1;
	v3 =	vxor.u32 v3, v2  }
0x1c: {  	v4 =	vadd.s32 $0x1BD11BF1, v4;
	v5 =	vshrl.u32 v3, $0x3;
	v60 =	vshll.u32 v3, $0x1D  }
0x1d: {  	v1 =	vadd.s32 v4, v1;
	v2 =	vadd.s32 v2, v3;
	v3 =	vor.u32 v5, v60  }
0x1e: {  	v61 =	vshrl.u32 v4, $0xF;
	v4 =	vshll.u32 v4, $0x11;
	v3 =	vxor.u32 v3, v2  }
0x1f: {  	v1 =	vadd.s32 $0x2A, v1;
	v5 =	vshrl.u32 v3, $0x10;
	v62 =	vshll.u32 v3, $0x10  }
0x20: {  	v4 =	vor.u32 v61, v4;
	v2 =	vadd.s32 v2, v3;
	v3 =	vor.u32 v5, v62  }
0x21: {  	v4 =	vxor.u32 v4, v1;
	v3 =	vxor.u32 v3, v2  }
0x22: {  	v63 =	vshll.u32 v4, $0x1D;
	v9 =	vshrl.u32 v3, $0x8;
	v10 =	vshll.u32 v3, $0x18  }
0x23: {  	v5 =	vshrl.u32 v4, $0x3;
	v2 =	vadd.s32 v2, v3;
	v3 =	vor.u32 v9, v10  }
0x24: {  	v1 =	vadd.s32 v1, v4;
	v5 =	vor.u32 v5, v63;
	v3 =	vxor.u32 v3, v2  }
0x25: {  	v4 =	vxor.u32 v5, v1;
	v3 =	vadd.s32 $0x2, v3  }
0x26: {  	v2 =	vadd.s32 v3, v2;
	v11 =	vshrl.u32 v3, $0x13;
	v3 =	vshll.u32 v3, $0xD  }
0x27: {  	v5 =	vshrl.u32 v4, $0x10;
	v2 =	vadd.s32 $0x1BD11BF0, v2;
	v3 =	vor.u32 v11, v3  }
0x28: {  	v12 =	vshll.u32 v4, $0x10;
	v1 =	vadd.s32 v1, v4;
	v3 =	vxor.u32 v3, v2  }
0x29: {  	v5 =	vor.u32 v5, v12;
	v4 =	vshrl.u32 v3, $0x11;
	v13 =	vshll.u32 v3, $0xF  }
0x2a: {  	v5 =	vxor.u32 v5, v1;
	v2 =	vadd.s32 v2, v3;
	v3 =	vor.u32 v4, v13  }
0x2b: {  	v1 =	vadd.s32 v1, v5;
	v4 =	vshrl.u32 v5, $0x8;
	v3 =	vxor.u32 v3, v2  }
0x2c: {  	v5 =	vshll.u32 v5, $0x18;
	v14 =	vshrl.u32 v3, $0x6;
	v15 =	vshll.u32 v3, $0x1A  }
0x2d: {  	v4 =	vor.u32 v4, v5;
	v2 =	vadd.s32 v2, v3;
	v3 =	vor.u32 v14, v15  }
0x2e: {  	v4 =	vxor.u32 v4, v1;
	v3 =	vxor.u32 v3, v2  }
0x2f: {  	v4 =	vadd.s32 $0x2, v4;
	v5 =	vshrl.u32 v3, $0x1A;
	v16 =	vshll.u32 v3, $0x6  }
0x30: {  	v1 =	vadd.s32 v4, v1;
	v2 =	vadd.s32 v2, v3;
	v3 =	vor.u32 v5, v16  }
0x31: {  	v5 =	vshrl.u32 v4, $0x13;
	v4 =	vshll.u32 v4, $0xD;
	v3 =	vxor.u32 v3, v2  }
0x32: {  	v1 =	vadd.s32 $0x1BD11BF0, v1;
	v4 =	vor.u32 v5, v4;
	v3 =	vadd.s32 $0x2D, v3  }
0x33: {  	v4 =	vxor.u32 v4, v1;
	v5 =	vshrl.u32 v3, $0xF;
	v17 =	vshll.u32 v3, $0x11  }
0x34: {  	v18 =	vshrl.u32 v4, $0x11;
	v1 =	vadd.s32 v1, v4;
	v4 =	vshll.u32 v4, $0xF  }
0x35: {  	v2 =	vadd.s32 v2, v3;
	v3 =	vor.u32 v5, v17;
	v4 =	vor.u32 v18, v4  }
0x36: {  	v3 =	vxor.u32 v3, v2;
	v4 =	vxor.u32 v4, v1  }
0x37: {  	v5 =	vshrl.u32 v3, $0x3;
	v19 =	vshll.u32 v3, $0x1D;
	v2 =	vadd.s32 v2, v3  }
0x38: {  	v20 =	vshll.u32 v4, $0x1A;
	v3 =	vor.u32 v5, v19;
	v5 =	vshrl.u32 v4, $0x6  }
0x39: {  	v1 =	vadd.s32 v1, v4;
	v3 =	vxor.u32 v3, v2;
	v5 =	vor.u32 v5, v20  }
0x3a: {  	v21 =	vshrl.u32 v3, $0x10;
	v22 =	vshll.u32 v3, $0x10;
	v4 =	vxor.u32 v5, v1  }
0x3b: {  	v2 =	vadd.s32 v2, v3;
	v3 =	vor.u32 v21, v22;
	v5 =	vshrl.u32 v4, $0x1A  }
0x3c: {  	v25 =	vshll.u32 v4, $0x6;
	v1 =	vadd.s32 v1, v4;
	v3 =	vxor.u32 v3, v2  }
0x3d: {  	s31 =	sadd.s32 $0x20, s8;
	v4 =	vor.u32 v5, v25;
	v23 =	vshrl.u32 v3, $0x8;
	v24 =	vshll.u32 v3, $0x18  }
0x3e: {  	s10 =	sadd.s32 $0x10, s31;
	v2 =	vadd.s32 v2, v3;
	v4 =	vxor.u32 v4, v1;
	v3 =	vor.u32 v23, v24  }
0x3f: {  	v36 =	vadd.s32 s10, v0;
	v4 =	vadd.s32 $0x2D, v4;
	v3 =	vxor.u32 v3, v2  }
0x40: {  	v37 =	vshrl.u32 v36, $0x13;
	v26 =	vshll.u32 v4, $0x11;
	v3 =	vadd.s32 $0x1BD11BF4, v3  }
0x41: {  	v2 =	vadd.s32 v3, v2;
	v5 =	vshrl.u32 v3, $0x13;
	v3 =	vshll.u32 v3, $0xD  }
0x42: {  	v2 =	vadd.s32 $0x2A, v2;
	v3 =	vor.u32 v5, v3;
	v5 =	vshrl.u32 v4, $0xF  }
0x43: {  	v1 =	vadd.s32 v1, v4;
	v3 =	vxor.u32 v3, v2;
	v5 =	vor.u32 v5, v26  }
0x44: {  	v27 =	vshrl.u32 v3, $0x11;
	v28 =	vshll.u32 v3, $0xF;
	v4 =	vxor.u32 v5, v1  }
0x45: {  	v2 =	vadd.s32 v2, v3;
	v3 =	vor.u32 v27, v28;
	v5 =	vshrl.u32 v4, $0x3  }
0x46: {  	v30 =	vshll.u32 v4, $0x1D;
	v1 =	vadd.s32 v1, v4;
	v3 =	vxor.u32 v3, v2  }
0x47: {  	v4 =	vor.u32 v5, v30;
	v29 =	vshrl.u32 v3, $0x6;
	v31 =	vshll.u32 v3, $0x1A  }
0x48: {  	v2 =	vadd.s32 v2, v3;
	v4 =	vxor.u32 v4, v1;
	v3 =	vor.u32 v29, v31  }
0x49: {  	v5 =	vshrl.u32 v4, $0x10;
	v32 =	vshll.u32 v4, $0x10;
	v3 =	vxor.u32 v3, v2  }
0x4a: {  	v1 =	vadd.s32 v1, v4;
	v4 =	vor.u32 v5, v32;
	v33 =	vshrl.u32 v3, $0x1A  }
0x4b: {  	v5 =	vshll.u32 v3, $0x6;
	v2 =	vadd.s32 v2, v3;
	v3 =	vxor.u32 v4, v1  }
0x4c: {  	v4 =	vor.u32 v33, v5;
	v5 =	vshrl.u32 v3, $0x8;
	v34 =	vshll.u32 v3, $0x18  }
0x4d: {  	v3 =	vadd.s32 v1, v3;
	v4 =	vxor.u32 v4, v2;
	v1 =	vor.u32 v5, v34  }
0x4e: {  	v2 =	vadd.s32 $0x1BD11BF0, v2;
	v4 =	vadd.s32 $0x5, v4;
	v5 =	vxor.u32 v1, v3  }
0x4f: {  	v38 =	vshll.u32 v36, $0xD;
	v1 =	vxor.u32 v2, v4;
	v2 =	vadd.s32 $0x1BD11BF4, v5  }
0x50: {  	v3 =	vadd.s32 v2, v3;
	v4 =	vshrl.u32 v2, $0x13;
	v2 =	vshll.u32 v2, $0xD  }
0x51: {  	v6 =	vor.u32 v37, v38;
	v2 =	vor.u32 v4, v2;
	v4 =	vadd.s32 s31, v0  }
0x52: {  	v6 =	vxor.u32 v36, v6;
	v5 =	vshrl.u32 v4, $0x13;
	v35 =	vshll.u32 v4, $0xD  }
0x53: {  	v40 =	vshrl.u32 v6, $0x11;
	v3 =	vadd.s32 $0x2A, v3;
	v5 =	vor.u32 v5, v35  }
0x54: {  	v10 =	vshll.u32 v6, $0xF;
	v2 =	vxor.u32 v2, v3;
	v5 =	vxor.u32 v4, v5  }
0x55: {  	v41 =	vor.u32 v40, v10;
	v42 =	vshrl.u32 v2, $0x11;
	v39 =	vshrl.u32 v5, $0x11  }
0x56: {  	v9 =	vshll.u32 v5, $0xF;
	v4 =	vadd.s32 v4, v5;
	v5 =	vadd.s32 v36, v6  }
0x57: {  	v43 =	vshll.u32 v2, $0xF;
	v2 =	vadd.s32 v3, v2;
	v6 =	vxor.u32 v41, v5  }
0x58: {  	v8 =	vor.u32 v39, v9;
	v44 =	vshrl.u32 v6, $0x6;
	v11 =	vshll.u32 v6, $0x1A  }
0x59: {  	v8 =	vxor.u32 v8, v4;
	v5 =	vadd.s32 v5, v6;
	v45 =	vor.u32 v44, v11  }
0x5a: {  	v12 =	vshrl.u32 v8, $0x6;
	v46 =	vshll.u32 v8, $0x1A;
	v6 =	vxor.u32 v45, v5  }
0x5b: {  	v4 =	vadd.s32 v4, v8;
	v47 =	vor.u32 v12, v46;
	v48 =	vshrl.u32 v6, $0x1A  }
0x5c: {  	v49 =	vshll.u32 v6, $0x6;
	v8 =	vxor.u32 v47, v4;
	v5 =	vadd.s32 v5, v6  }
0x5d: {  	v50 =	vor.u32 v48, v49;
	v51 =	vshrl.u32 v8, $0x1A;
	v52 =	vshll.u32 v8, $0x6  }
0x5e: {  	v4 =	vadd.s32 v4, v8;
	v6 =	vxor.u32 v50, v5;
	v53 =	vor.u32 v51, v52  }
0x5f: {  	v7 =	vor.u32 v42, v43;
	v6 =	vadd.s32 $0x1BD11BF1, v6;
	v8 =	vxor.u32 v53, v4  }
0x60: {  	v5 =	vadd.s32 v6, v5;
	v54 =	vshrl.u32 v6, $0xF;
	v6 =	vshll.u32 v6, $0x11  }
0x61: {  	v8 =	vadd.s32 $0x1BD11BF1, v8;
	v5 =	vadd.s32 $0x2A, v5;
	v6 =	vor.u32 v54, v6  }
0x62: {  	v7 =	vxor.u32 v7, v2;
	v4 =	vadd.s32 v8, v4;
	v6 =	vxor.u32 v6, v5  }
0x63: {  	v57 =	vshrl.u32 v8, $0xF;
	v55 =	vshrl.u32 v6, $0x3;
	v56 =	vshll.u32 v6, $0x1D  }
0x64: {  	v8 =	vshll.u32 v8, $0x11;
	v5 =	vadd.s32 v5, v6;
	v58 =	vor.u32 v55, v56  }
0x65: {  	v4 =	vadd.s32 $0x2A, v4;
	v8 =	vor.u32 v57, v8;
	v6 =	vxor.u32 v58, v5  }
0x66: {  	v8 =	vxor.u32 v8, v4;
	v59 =	vshrl.u32 v6, $0x10;
	v60 =	vshll.u32 v6, $0x10  }
0x67: {  	v62 =	vshrl.u32 v8, $0x3;
	v5 =	vadd.s32 v5, v6;
	v61 =	vor.u32 v59, v60  }
0x68: {  	v63 =	vshll.u32 v8, $0x1D;
	v4 =	vadd.s32 v4, v8;
	v6 =	vxor.u32 v61, v5  }
0x69: {  	v9 =	vor.u32 v62, v63;
	v12 =	vshrl.u32 v6, $0x8;
	v13 =	vshll.u32 v6, $0x18  }
0x6a: {  	v3 =	vxor.u32 v9, v4;
	v5 =	vadd.s32 v5, v6;
	v14 =	vor.u32 v12, v13  }
0x6b: {  	v15 =	vshrl.u32 v3, $0x10;
	v17 =	vshll.u32 v3, $0x10;
	v6 =	vxor.u32 v14, v5  }
0x6c: {  	v3 =	vadd.s32 v4, v3;
	v8 =	vor.u32 v15, v17;
	v6 =	vadd.s32 $0x2, v6  }
0x6d: {  	v5 =	vadd.s32 v6, v5;
	v16 =	vshrl.u32 v6, $0x13;
	v6 =	vshll.u32 v6, $0xD  }
0x6e: {  	v18 =	vxor.u32 v8, v3;
	v5 =	vadd.s32 $0x1BD11BF0, v5;
	v6 =	vor.u32 v16, v6  }
0x6f: {  	v21 =	vshrl.u32 v18, $0x8;
	v3 =	vadd.s32 v3, v18;
	v4 =	vxor.u32 v6, v5  }
0x70: {  	v6 =	vshll.u32 v18, $0x18;
	v19 =	vshrl.u32 v4, $0x11;
	v20 =	vshll.u32 v4, $0xF  }
0x71: {  	v4 =	vadd.s32 v5, v4;
	v6 =	vor.u32 v21, v6;
	v5 =	vor.u32 v19, v20  }
0x72: {  	v24 =	vshrl.u32 v7, $0x6;
	v6 =	vxor.u32 v6, v3;
	v5 =	vxor.u32 v5, v4  }
0x73: {  	v25 =	vshll.u32 v7, $0x1A;
	v6 =	vadd.s32 $0x2, v6;
	v22 =	vshrl.u32 v5, $0x6  }
0x74: {  	v23 =	vshll.u32 v5, $0x1A;
	v4 =	vadd.s32 v4, v5;
	v3 =	vadd.s32 v6, v3  }
0x75: {  	v28 =	vshrl.u32 v6, $0x13;
	v6 =	vshll.u32 v6, $0xD;
	v5 =	vor.u32 v22, v23  }
0x76: {  	v3 =	vadd.s32 $0x1BD11BF0, v3;
	v6 =	vor.u32 v28, v6;
	v5 =	vxor.u32 v5, v4  }
0x77: {  	v6 =	vxor.u32 v6, v3;
	v26 =	vshrl.u32 v5, $0x1A;
	v27 =	vshll.u32 v5, $0x6  }
0x78: {  	v31 =	vshrl.u32 v6, $0x11;
	v3 =	vadd.s32 v3, v6;
	v6 =	vshll.u32 v6, $0xF  }
0x79: {  	v4 =	vadd.s32 v4, v5;
	v5 =	vor.u32 v26, v27;
	v6 =	vor.u32 v31, v6  }
0x7a: {  	v2 =	vadd.s32 v2, v7;
	v5 =	vxor.u32 v5, v4;
	v6 =	vxor.u32 v6, v3  }
0x7b: {  	v38 =	vor.u32 v24, v25;
	v5 =	vadd.s32 $0x2D, v5;
	v34 =	vshrl.u32 v6, $0x6  }
0x7c: {  	v35 =	vshll.u32 v6, $0x1A;
	v29 =	vshrl.u32 v5, $0xF;
	v30 =	vshll.u32 v5, $0x11  }
0x7d: {  	v3 =	vadd.s32 v3, v6;
	v4 =	vadd.s32 v4, v5;
	v5 =	vor.u32 v29, v30  }
0x7e: {  	v6 =	vxor.u32 v38, v2;
	v10 =	vor.u32 v34, v35;
	v5 =	vxor.u32 v5, v4  }
0x7f: {  	v39 =	vxor.u32 v10, v3;
	v32 =	vshrl.u32 v5, $0x3;
	v33 =	vshll.u32 v5, $0x1D  }
0x80: {  	v40 =	vshrl.u32 v39, $0x1A;
	v4 =	vadd.s32 v4, v5;
	v5 =	vor.u32 v32, v33  }
0x81: {  	v43 =	vshll.u32 v39, $0x6;
	v3 =	vadd.s32 v3, v39;
	v5 =	vxor.u32 v5, v4  }
0x82: {  	v44 =	vor.u32 v40, v43;
	v36 =	vshrl.u32 v5, $0x10;
	v37 =	vshll.u32 v5, $0x10  }
0x83: {  	v45 =	vxor.u32 v44, v3;
	v4 =	vadd.s32 v4, v5;
	v5 =	vor.u32 v36, v37  }
0x84: {  	v55 =	vshrl.u32 v6, $0x1A;
	v7 =	vadd.s32 $0x2D, v45;
	v5 =	vxor.u32 v5, v4  }
0x85: {  	v47 =	vshrl.u32 v7, $0xF;
	v41 =	vshrl.u32 v5, $0x8;
	v42 =	vshll.u32 v5, $0x18  }
0x86: {  	v48 =	vshll.u32 v7, $0x11;
	v4 =	vadd.s32 v4, v5;
	v5 =	vor.u32 v41, v42  }
0x87: {  	v3 =	vadd.s32 v3, v7;
	v8 =	vor.u32 v47, v48;
	v5 =	vxor.u32 v5, v4  }
0x88: {  	v59 =	vshll.u32 v6, $0x6;
	v7 =	vxor.u32 v8, v3;
	v5 =	vadd.s32 $0x1BD11BF4, v5  }
0x89: {  	v4 =	vadd.s32 v5, v4;
	v46 =	vshrl.u32 v5, $0x13;
	v5 =	vshll.u32 v5, $0xD  }
0x8a: {  	v8 =	vshrl.u32 v7, $0x3;
	v4 =	vadd.s32 $0x2A, v4;
	v5 =	vor.u32 v46, v5  }
0x8b: {  	v53 =	vshll.u32 v7, $0x1D;
	v3 =	vadd.s32 v3, v7;
	v5 =	vxor.u32 v5, v4  }
0x8c: {  	v54 =	vor.u32 v8, v53;
	v49 =	vshrl.u32 v5, $0x11;
	v50 =	vshll.u32 v5, $0xF  }
0x8d: {  	v7 =	vxor.u32 v54, v3;
	v4 =	vadd.s32 v4, v5;
	v5 =	vor.u32 v49, v50  }
0x8e: {  	v2 =	vadd.s32 v2, v6;
	v58 =	vshrl.u32 v7, $0x10;
	v5 =	vxor.u32 v5, v4  }
0x8f: {  	v3 =	vadd.s32 v3, v7;
	v51 =	vshrl.u32 v5, $0x6;
	v52 =	vshll.u32 v5, $0x1A  }
0x90: {  	v7 =	vshll.u32 v7, $0x10;
	v4 =	vadd.s32 v4, v5;
	v5 =	vor.u32 v51, v52  }
0x91: {  	v61 =	vor.u32 v55, v59;
	v7 =	vor.u32 v58, v7;
	v5 =	vxor.u32 v5, v4  }
0x92: {  	v7 =	vxor.u32 v7, v3;
	v56 =	vshrl.u32 v5, $0x1A;
	v57 =	vshll.u32 v5, $0x6  }
0x93: {  	v3 =	vadd.s32 v3, v7;
	v4 =	vadd.s32 v4, v5;
	v5 =	vor.u32 v56, v57  }
0x94: {  	v60 =	vshrl.u32 v7, $0x8;
	v7 =	vshll.u32 v7, $0x18;
	v5 =	vxor.u32 v5, v4  }
0x95: {  	v7 =	vor.u32 v60, v7;
	v4 =	vadd.s32 $0x1BD11BF0, v4;
	v5 =	vadd.s32 $0x5, v5  }
0x96: {  	v6 =	vxor.u32 v61, v2;
	v4 =	vxor.u32 v4, v5;
	v5 =	vxor.u32 v7, v3  }
0x97: {  	s12 =	simm.s32 $0x10;
	v62 =	vadd.s32 $0x1BD11BF0, v2;
	v2 =	vadd.s32 $0x1BD11BF4, v5;
	v5 =	vadd.s32 $0x5, v6  }
0x98: {  	s11 =	sshll.u32 s9, $0xD;
	s10 =	simm.s32 $0x30;
	[tilespmem:s12+$0x0] =	vst v1;
	v1 =	vadd.s32 v2, v3;
	v3 =	vshrl.u32 v2, $0x13;
	v63 =	vshll.u32 v2, $0xD  }
0x99: {  	s14 =	sadd.s32 $0x40, s8;
	s13 =	simm.s32 $0x60;
	s11 =	sadd.s32 s4, s11;
	[tilespmem:s10+$0x0] =	vst v4;
	v2 =	vadd.s32 $0x2A, v1;
	v3 =	vor.u32 v3, v63;
	v1 =	vxor.u32 v62, v5  }
.LBB2_3:
0x9a: {  	p0 =	sne.s32 s13, $0x1FE0;
	v4 =	vadd.s32 s14, v0;
	s14 =	sadd.s32 $0x10, s14;
	v3 =	vxor.u32 v3, v2;
	[tilespmem:s12+$0xFFFFFFF0] =	vst v1;
	s12 =	smov.u32 s10  }
0x9b: {  	v1 =	vshrl.u32 v4, $0x13;
	v5 =	vshll.u32 v4, $0xD;
	v6 =	vadd.s32 s14, v0  }
0x9c: {  	v1 =	vor.u32 v1, v5;
	v5 =	vshrl.u32 v6, $0x13;
	v7 =	vshll.u32 v6, $0xD  }
0x9d: {  	v1 =	vxor.u32 v4, v1;
	v5 =	vor.u32 v5, v7;
	v7 =	vshrl.u32 v3, $0x11  }
0x9e: {  	v8 =	vshrl.u32 v1, $0x11;
	v9 =	vshll.u32 v1, $0xF;
	v5 =	vxor.u32 v6, v5  }
0x9f: {  	v8 =	vor.u32 v8, v9;
	v9 =	vshrl.u32 v5, $0x11;
	v10 =	vshll.u32 v5, $0xF  }
0xa0: {  	v1 =	vadd.s32 v4, v1;
	v4 =	vadd.s32 v6, v5;
	v5 =	vor.u32 v9, v10  }
0xa1: {  	v6 =	vxor.u32 v8, v1;
	v8 =	vshll.u32 v3, $0xF;
	v5 =	vxor.u32 v5, v4  }
0xa2: {  	v9 =	vshrl.u32 v6, $0x6;
	v10 =	vshrl.u32 v5, $0x6;
	v11 =	vshll.u32 v5, $0x1A  }
0xa3: {  	v12 =	vshll.u32 v6, $0x1A;
	v4 =	vadd.s32 v4, v5;
	v5 =	vor.u32 v10, v11  }
0xa4: {  	v1 =	vadd.s32 v1, v6;
	v6 =	vor.u32 v9, v12;
	v5 =	vxor.u32 v5, v4  }
0xa5: {  	v6 =	vxor.u32 v6, v1;
	v9 =	vshrl.u32 v5, $0x1A;
	v10 =	vshll.u32 v5, $0x6  }
0xa6: {  	v11 =	vshrl.u32 v6, $0x1A;
	v4 =	vadd.s32 v4, v5;
	v5 =	vor.u32 v9, v10  }
0xa7: {  	v1 =	vadd.s32 v1, v6;
	v6 =	vshll.u32 v6, $0x6;
	v5 =	vxor.u32 v5, v4  }
0xa8: {  	v7 =	vor.u32 v7, v8;
	v6 =	vor.u32 v11, v6;
	v5 =	vadd.s32 $0x1BD11BF1, v5  }
0xa9: {  	v4 =	vadd.s32 v5, v4;
	v8 =	vshrl.u32 v5, $0xF;
	v5 =	vshll.u32 v5, $0x11  }
0xaa: {  	v6 =	vxor.u32 v6, v1;
	v4 =	vadd.s32 $0x2A, v4;
	v5 =	vor.u32 v8, v5  }
0xab: {  	v2 =	vadd.s32 v2, v3;
	v6 =	vadd.s32 $0x1BD11BF1, v6;
	v5 =	vxor.u32 v5, v4  }
0xac: {  	v1 =	vadd.s32 v6, v1;
	v3 =	vshrl.u32 v5, $0x3;
	v8 =	vshll.u32 v5, $0x1D  }
0xad: {  	v9 =	vshrl.u32 v6, $0xF;
	v4 =	vadd.s32 v4, v5;
	v3 =	vor.u32 v3, v8  }
0xae: {  	v1 =	vadd.s32 $0x2A, v1;
	v5 =	vshll.u32 v6, $0x11;
	v3 =	vxor.u32 v3, v4  }
0xaf: {  	v5 =	vor.u32 v9, v5;
	v6 =	vshrl.u32 v3, $0x10;
	v8 =	vshll.u32 v3, $0x10  }
0xb0: {  	v5 =	vxor.u32 v5, v1;
	v3 =	vadd.s32 v4, v3;
	v4 =	vor.u32 v6, v8  }
0xb1: {  	v6 =	vshrl.u32 v5, $0x3;
	v8 =	vshll.u32 v5, $0x1D;
	v4 =	vxor.u32 v4, v3  }
0xb2: {  	v6 =	vor.u32 v6, v8;
	v8 =	vshrl.u32 v4, $0x8;
	v9 =	vshll.u32 v4, $0x18  }
0xb3: {  	v1 =	vadd.s32 v1, v5;
	v3 =	vadd.s32 v3, v4;
	v4 =	vor.u32 v8, v9  }
0xb4: {  	v5 =	vxor.u32 v6, v1;
	v6 =	vxor.u32 v7, v2;
	v4 =	vxor.u32 v4, v3  }
0xb5: {  	v7 =	vshrl.u32 v5, $0x10;
	v8 =	vshll.u32 v5, $0x10;
	v4 =	vadd.s32 $0x2, v4  }
0xb6: {  	v3 =	vadd.s32 v4, v3;
	v9 =	vshrl.u32 v4, $0x13;
	v4 =	vshll.u32 v4, $0xD  }
0xb7: {  	v7 =	vor.u32 v7, v8;
	v3 =	vadd.s32 $0x1BD11BF0, v3;
	v4 =	vor.u32 v9, v4  }
0xb8: {  	v1 =	vadd.s32 v1, v5;
	v5 =	vshrl.u32 v6, $0x6;
	v4 =	vxor.u32 v4, v3  }
0xb9: {  	v7 =	vxor.u32 v7, v1;
	v8 =	vshrl.u32 v4, $0x11;
	v9 =	vshll.u32 v4, $0xF  }
0xba: {  	v10 =	vshrl.u32 v7, $0x8;
	v3 =	vadd.s32 v3, v4;
	v4 =	vor.u32 v8, v9  }
0xbb: {  	v1 =	vadd.s32 v1, v7;
	v7 =	vshll.u32 v7, $0x18;
	v4 =	vxor.u32 v4, v3  }
0xbc: {  	v7 =	vor.u32 v10, v7;
	v8 =	vshrl.u32 v4, $0x6;
	v9 =	vshll.u32 v4, $0x1A  }
0xbd: {  	v7 =	vxor.u32 v7, v1;
	v3 =	vadd.s32 v3, v4;
	v4 =	vor.u32 v8, v9  }
0xbe: {  	v7 =	vadd.s32 $0x2, v7;
	v8 =	vshll.u32 v6, $0x1A;
	v4 =	vxor.u32 v4, v3  }
0xbf: {  	v1 =	vadd.s32 v7, v1;
	v9 =	vshrl.u32 v4, $0x1A;
	v10 =	vshll.u32 v4, $0x6  }
0xc0: {  	v11 =	vshrl.u32 v7, $0x13;
	v3 =	vadd.s32 v3, v4;
	v4 =	vor.u32 v9, v10  }
0xc1: {  	v7 =	vshll.u32 v7, $0xD;
	v1 =	vadd.s32 $0x1BD11BF0, v1;
	v4 =	vxor.u32 v4, v3  }
0xc2: {  	v7 =	vor.u32 v11, v7;
	v5 =	vor.u32 v5, v8;
	v4 =	vadd.s32 $0x2D, v4  }
0xc3: {  	v7 =	vxor.u32 v7, v1;
	v8 =	vshrl.u32 v4, $0xF;
	v9 =	vshll.u32 v4, $0x11  }
0xc4: {  	v10 =	vshrl.u32 v7, $0x11;
	v3 =	vadd.s32 v3, v4;
	v4 =	vor.u32 v8, v9  }
0xc5: {  	v1 =	vadd.s32 v1, v7;
	v7 =	vshll.u32 v7, $0xF;
	v4 =	vxor.u32 v4, v3  }
0xc6: {  	v7 =	vor.u32 v10, v7;
	v8 =	vshrl.u32 v4, $0x3;
	v9 =	vshll.u32 v4, $0x1D  }
0xc7: {  	v7 =	vxor.u32 v7, v1;
	v3 =	vadd.s32 v3, v4;
	v4 =	vor.u32 v8, v9  }
0xc8: {  	v8 =	vshrl.u32 v7, $0x6;
	v9 =	vshll.u32 v7, $0x1A;
	v4 =	vxor.u32 v4, v3  }
0xc9: {  	v8 =	vor.u32 v8, v9;
	v9 =	vshrl.u32 v4, $0x10;
	v10 =	vshll.u32 v4, $0x10  }
0xca: {  	v1 =	vadd.s32 v1, v7;
	v3 =	vadd.s32 v3, v4;
	v4 =	vor.u32 v9, v10  }
0xcb: {  	v2 =	vadd.s32 v2, v6;
	v7 =	vxor.u32 v8, v1;
	v4 =	vxor.u32 v4, v3  }
0xcc: {  	v6 =	vshrl.u32 v7, $0x1A;
	v8 =	vshrl.u32 v4, $0x8;
	v9 =	vshll.u32 v4, $0x18  }
0xcd: {  	v10 =	vshll.u32 v7, $0x6;
	v3 =	vadd.s32 v3, v4;
	v4 =	vor.u32 v8, v9  }
0xce: {  	v1 =	vadd.s32 v1, v7;
	v6 =	vor.u32 v6, v10;
	v4 =	vxor.u32 v4, v3  }
0xcf: {  	v5 =	vxor.u32 v5, v2;
	v6 =	vxor.u32 v6, v1;
	v4 =	vadd.s32 $0x1BD11BF4, v4  }
0xd0: {  	v3 =	vadd.s32 v4, v3;
	v7 =	vshrl.u32 v4, $0x13;
	v4 =	vshll.u32 v4, $0xD  }
0xd1: {  	v6 =	vadd.s32 $0x2D, v6;
	v3 =	vadd.s32 $0x2A, v3;
	v4 =	vor.u32 v7, v4  }
0xd2: {  	v8 =	vshll.u32 v6, $0x11;
	v7 =	vshrl.u32 v6, $0xF;
	v4 =	vxor.u32 v4, v3  }
0xd3: {  	v7 =	vor.u32 v7, v8;
	v8 =	vshrl.u32 v4, $0x11;
	v9 =	vshll.u32 v4, $0xF  }
0xd4: {  	v1 =	vadd.s32 v1, v6;
	v3 =	vadd.s32 v3, v4;
	v4 =	vor.u32 v8, v9  }
0xd5: {  	v6 =	vxor.u32 v7, v1;
	v7 =	vshrl.u32 v5, $0x1A;
	v4 =	vxor.u32 v4, v3  }
0xd6: {  	v8 =	vshrl.u32 v6, $0x3;
	v9 =	vshrl.u32 v4, $0x6;
	v10 =	vshll.u32 v4, $0x1A  }
0xd7: {  	v11 =	vshll.u32 v6, $0x1D;
	v3 =	vadd.s32 v3, v4;
	v4 =	vor.u32 v9, v10  }
0xd8: {  	v1 =	vadd.s32 v1, v6;
	v6 =	vor.u32 v8, v11;
	v4 =	vxor.u32 v4, v3  }
0xd9: {  	v6 =	vxor.u32 v6, v1;
	v8 =	vshrl.u32 v4, $0x1A;
	v9 =	vshll.u32 v4, $0x6  }
0xda: {  	v10 =	vshrl.u32 v6, $0x10;
	v3 =	vadd.s32 v3, v4;
	v4 =	vor.u32 v8, v9  }
0xdb: {  	v1 =	vadd.s32 v1, v6;
	v6 =	vshll.u32 v6, $0x10;
	v4 =	vxor.u32 v4, v3  }
0xdc: {  	v6 =	vor.u32 v10, v6;
	v3 =	vadd.s32 $0x1BD11BF0, v3;
	v4 =	vadd.s32 $0x5, v4  }
0xdd: {  	s10 =	sadd.s32 $0x20, s10;
	v6 =	vxor.u32 v6, v1;
	v3 =	vxor.u32 v3, v4;
	v4 =	vshll.u32 v5, $0x6  }
0xde: {  	v1 =	vadd.s32 v1, v6;
	v8 =	vshrl.u32 v6, $0x8;
	v6 =	vshll.u32 v6, $0x18;
	[tilespmem:s10+$0x0] =	vst v3  }
.Ltmp0:
0xdf: {  	v2 =	vadd.s32 v2, v5;
	v3 =	vor.u32 v8, v6;
	v4 =	vor.u32 v7, v4;
	(pc) =	sbr.rel @p0 .LBB2_3-.Ltmp0, $4  }
0xe0: {  	v5 =	vadd.s32 $0x1BD11BF0, v2;
	v3 =	vxor.u32 v3, v1;
	v4 =	vxor.u32 v4, v2  }
0xe1: {  	v2 =	vadd.s32 $0x1BD11BF4, v3;
	v4 =	vadd.s32 $0x5, v4  }
0xe2: {  	v1 =	vadd.s32 v2, v1;
	v3 =	vshrl.u32 v2, $0x13;
	v6 =	vshll.u32 v2, $0xD  }
0xe3: {  	s14 =	sadd.s32 s13, s8;
	s13 =	sadd.s32 $0x20, s13;
	v2 =	vadd.s32 $0x2A, v1;
	v3 =	vor.u32 v3, v6;
	v1 =	vxor.u32 v5, v4  }
0xe4: {  	v4 =	vadd.s32 s14, v0  }
0xe5: {  	s13 =	sadd.s32 $0x10, s14;
	v5 =	vshrl.u32 v4, $0x13;
	v6 =	vshll.u32 v4, $0xD  }
0xe6: {  	v7 =	vadd.s32 s13, v0;
	v5 =	vor.u32 v5, v6  }
0xe7: {  	v13 =	vshrl.u32 v7, $0x13;
	v8 =	vshll.u32 v7, $0xD;
	v5 =	vxor.u32 v4, v5  }
0xe8: {  	v3 =	vxor.u32 v3, v2;
	v6 =	vor.u32 v13, v8;
	v14 =	vshrl.u32 v5, $0x11  }
0xe9: {  	v9 =	vshll.u32 v5, $0xF;
	v6 =	vxor.u32 v7, v6;
	v4 =	vadd.s32 v4, v5  }
0xea: {  	v8 =	vor.u32 v14, v9;
	v15 =	vshrl.u32 v6, $0x11;
	v10 =	vshll.u32 v6, $0xF  }
0xeb: {  	v16 =	vadd.s32 v7, v6;
	v17 =	vor.u32 v15, v10;
	v8 =	vxor.u32 v8, v4  }
0xec: {  	v6 =	vxor.u32 v17, v16;
	v12 =	vshrl.u32 v8, $0x6;
	v22 =	vshll.u32 v8, $0x1A  }
0xed: {  	v4 =	vadd.s32 v4, v8;
	v20 =	vshrl.u32 v6, $0x6;
	v11 =	vshll.u32 v6, $0x1A  }
0xee: {  	v5 =	vadd.s32 v16, v6;
	v23 =	vor.u32 v12, v22;
	v21 =	vor.u32 v20, v11  }
0xef: {  	v18 =	vshrl.u32 v3, $0x11;
	v8 =	vxor.u32 v23, v4;
	v6 =	vxor.u32 v21, v5  }
0xf0: {  	v27 =	vshrl.u32 v8, $0x1A;
	v24 =	vshrl.u32 v6, $0x1A;
	v25 =	vshll.u32 v6, $0x6  }
0xf1: {  	v28 =	vshll.u32 v8, $0x6;
	v5 =	vadd.s32 v5, v6;
	v26 =	vor.u32 v24, v25  }
0xf2: {  	v4 =	vadd.s32 v4, v8;
	v29 =	vor.u32 v27, v28;
	v6 =	vxor.u32 v26, v5  }
0xf3: {  	v19 =	vshll.u32 v3, $0xF;
	v8 =	vxor.u32 v29, v4;
	v6 =	vadd.s32 $0x1BD11BF1, v6  }
0xf4: {  	v5 =	vadd.s32 v6, v5;
	v30 =	vshrl.u32 v6, $0xF;
	v6 =	vshll.u32 v6, $0x11  }
0xf5: {  	v8 =	vadd.s32 $0x1BD11BF1, v8;
	v5 =	vadd.s32 $0x2A, v5;
	v6 =	vor.u32 v30, v6  }
0xf6: {  	v2 =	vadd.s32 v2, v3;
	v4 =	vadd.s32 v8, v4;
	v6 =	vxor.u32 v6, v5  }
0xf7: {  	v33 =	vshrl.u32 v8, $0xF;
	v31 =	vshrl.u32 v6, $0x3;
	v32 =	vshll.u32 v6, $0x1D  }
0xf8: {  	v8 =	vshll.u32 v8, $0x11;
	v5 =	vadd.s32 v5, v6;
	v34 =	vor.u32 v31, v32  }
0xf9: {  	v4 =	vadd.s32 $0x2A, v4;
	v8 =	vor.u32 v33, v8;
	v6 =	vxor.u32 v34, v5  }
0xfa: {  	v8 =	vxor.u32 v8, v4;
	v35 =	vshrl.u32 v6, $0x10;
	v36 =	vshll.u32 v6, $0x10  }
0xfb: {  	v38 =	vshrl.u32 v8, $0x3;
	v5 =	vadd.s32 v5, v6;
	v37 =	vor.u32 v35, v36  }
0xfc: {  	v39 =	vshll.u32 v8, $0x1D;
	v4 =	vadd.s32 v4, v8;
	v6 =	vxor.u32 v37, v5  }
0xfd: {  	v9 =	vor.u32 v38, v39;
	v40 =	vshrl.u32 v6, $0x8;
	v41 =	vshll.u32 v6, $0x18  }
0xfe: {  	v3 =	vxor.u32 v9, v4;
	v5 =	vadd.s32 v5, v6;
	v42 =	vor.u32 v40, v41  }
0xff: {  	v43 =	vshrl.u32 v3, $0x10;
	v45 =	vshll.u32 v3, $0x10;
	v6 =	vxor.u32 v42, v5  }
0x100: {  	v3 =	vadd.s32 v4, v3;
	v8 =	vor.u32 v43, v45;
	v6 =	vadd.s32 $0x2, v6  }
0x101: {  	v5 =	vadd.s32 v6, v5;
	v44 =	vshrl.u32 v6, $0x13;
	v6 =	vshll.u32 v6, $0xD  }
0x102: {  	v47 =	vxor.u32 v8, v3;
	v5 =	vadd.s32 $0x1BD11BF0, v5;
	v6 =	vor.u32 v44, v6  }
0x103: {  	v50 =	vshrl.u32 v47, $0x8;
	v3 =	vadd.s32 v3, v47;
	v46 =	vxor.u32 v6, v5  }
0x104: {  	v6 =	vshll.u32 v47, $0x18;
	v48 =	vshrl.u32 v46, $0x11;
	v49 =	vshll.u32 v46, $0xF  }
0x105: {  	v4 =	vadd.s32 v5, v46;
	v6 =	vor.u32 v50, v6;
	v51 =	vor.u32 v48, v49  }
0x106: {  	v6 =	vxor.u32 v6, v3;
	v5 =	vxor.u32 v51, v4  }
0x107: {  	v7 =	vor.u32 v18, v19;
	v6 =	vadd.s32 $0x2, v6;
	v52 =	vshrl.u32 v5, $0x6  }
0x108: {  	v53 =	vshll.u32 v5, $0x1A;
	v4 =	vadd.s32 v4, v5;
	v3 =	vadd.s32 v6, v3  }
0x109: {  	v60 =	vshrl.u32 v6, $0x13;
	v6 =	vshll.u32 v6, $0xD;
	v54 =	vor.u32 v52, v53  }
0x10a: {  	v3 =	vadd.s32 $0x1BD11BF0, v3;
	v6 =	vor.u32 v60, v6;
	v5 =	vxor.u32 v54, v4  }
0x10b: {  	v6 =	vxor.u32 v6, v3;
	v57 =	vshrl.u32 v5, $0x1A;
	v58 =	vshll.u32 v5, $0x6  }
0x10c: {  	v63 =	vshrl.u32 v6, $0x11;
	v3 =	vadd.s32 v3, v6;
	v6 =	vshll.u32 v6, $0xF  }
0x10d: {  	v4 =	vadd.s32 v4, v5;
	v59 =	vor.u32 v57, v58;
	v6 =	vor.u32 v63, v6  }
0x10e: {  	v7 =	vxor.u32 v7, v2;
	v5 =	vxor.u32 v59, v4;
	v6 =	vxor.u32 v6, v3  }
0x10f: {  	v5 =	vadd.s32 $0x2D, v5;
	v18 =	vshrl.u32 v6, $0x6;
	v19 =	vshll.u32 v6, $0x1A  }
0x110: {  	v3 =	vadd.s32 v3, v6;
	v61 =	vshrl.u32 v5, $0xF;
	v62 =	vshll.u32 v5, $0x11  }
0x111: {  	v4 =	vadd.s32 v4, v5;
	v10 =	vor.u32 v18, v19;
	v14 =	vor.u32 v61, v62  }
0x112: {  	v55 =	vshrl.u32 v7, $0x6;
	v24 =	vxor.u32 v10, v3;
	v5 =	vxor.u32 v14, v4  }
0x113: {  	v25 =	vshrl.u32 v24, $0x1A;
	v27 =	vshll.u32 v24, $0x6;
	v3 =	vadd.s32 v3, v24  }
0x114: {  	v15 =	vshrl.u32 v5, $0x3;
	v16 =	vshll.u32 v5, $0x1D;
	v29 =	vor.u32 v25, v27  }
0x115: {  	v4 =	vadd.s32 v4, v5;
	v17 =	vor.u32 v15, v16;
	v8 =	vxor.u32 v29, v3  }
0x116: {  	v56 =	vshll.u32 v7, $0x1A;
	v5 =	vxor.u32 v17, v4;
	v31 =	vadd.s32 $0x2D, v8  }
0x117: {  	v20 =	vshrl.u32 v5, $0x10;
	v21 =	vshll.u32 v5, $0x10;
	v4 =	vadd.s32 v4, v5  }
0x118: {  	v8 =	vshrl.u32 v31, $0xF;
	v32 =	vshll.u32 v31, $0x11;
	v22 =	vor.u32 v20, v21  }
0x119: {  	v3 =	vadd.s32 v3, v31;
	v8 =	vor.u32 v8, v32;
	v5 =	vxor.u32 v22, v4  }
0x11a: {  	v8 =	vxor.u32 v8, v3;
	v26 =	vshrl.u32 v5, $0x8;
	v28 =	vshll.u32 v5, $0x18  }
0x11b: {  	v4 =	vadd.s32 v4, v5;
	v34 =	vshrl.u32 v8, $0x3;
	v35 =	vshll.u32 v8, $0x1D  }
0x11c: {  	v3 =	vadd.s32 v3, v8;
	v30 =	vor.u32 v26, v28;
	v36 =	vor.u32 v34, v35  }
0x11d: {  	v2 =	vadd.s32 v2, v7;
	v5 =	vxor.u32 v30, v4;
	v7 =	vxor.u32 v36, v3  }
0x11e: {  	v23 =	vor.u32 v55, v56;
	v5 =	vadd.s32 $0x1BD11BF4, v5;
	v38 =	vshrl.u32 v7, $0x10  }
0x11f: {  	v39 =	vshll.u32 v7, $0x10;
	v3 =	vadd.s32 v3, v7;
	v4 =	vadd.s32 v5, v4  }
0x120: {  	v33 =	vshrl.u32 v5, $0x13;
	v5 =	vshll.u32 v5, $0xD;
	v41 =	vor.u32 v38, v39  }
0x121: {  	v4 =	vadd.s32 $0x2A, v4;
	v5 =	vor.u32 v33, v5;
	v7 =	vxor.u32 v41, v3  }
0x122: {  	v5 =	vxor.u32 v5, v4;
	v43 =	vshrl.u32 v7, $0x8;
	v44 =	vshll.u32 v7, $0x18  }
0x123: {  	v3 =	vadd.s32 v3, v7;
	v37 =	vshrl.u32 v5, $0x11;
	v40 =	vshll.u32 v5, $0xF  }
0x124: {  	v4 =	vadd.s32 v4, v5;
	v46 =	vor.u32 v43, v44;
	v42 =	vor.u32 v37, v40  }
0x125: {  	v6 =	vxor.u32 v23, v2;
	v7 =	vxor.u32 v46, v3;
	v5 =	vxor.u32 v42, v4  }
0x126: {  	v45 =	vshrl.u32 v6, $0x1A;
	v7 =	vadd.s32 $0x1BD11BF4, v7;
	v47 =	vshrl.u32 v5, $0x6  }
0x127: {  	v48 =	vshll.u32 v5, $0x1A;
	v4 =	vadd.s32 v4, v5;
	v3 =	vadd.s32 v7, v3  }
0x128: {  	v50 =	vshrl.u32 v7, $0x13;
	v7 =	vshll.u32 v7, $0xD;
	v49 =	vor.u32 v47, v48  }
0x129: {  	v3 =	vadd.s32 $0x2A, v3;
	v7 =	vor.u32 v50, v7;
	v5 =	vxor.u32 v49, v4  }
0x12a: {  	v59 =	vshll.u32 v6, $0x6;
	v7 =	vxor.u32 v7, v3;
	v51 =	vshrl.u32 v5, $0x1A  }
0x12b: {  	v52 =	vshll.u32 v5, $0x6;
	v53 =	vshrl.u32 v7, $0x11;
	v54 =	vshll.u32 v7, $0xF  }
0x12c: {  	v4 =	vadd.s32 v4, v5;
	v3 =	vadd.s32 v3, v7;
	v5 =	vor.u32 v53, v54  }
0x12d: {  	v2 =	vadd.s32 v2, v6;
	v8 =	vor.u32 v51, v52;
	v5 =	vxor.u32 v5, v3  }
0x12e: {  	v55 =	vxor.u32 v8, v4;
	v56 =	vshrl.u32 v5, $0x6;
	v57 =	vshll.u32 v5, $0x1A  }
0x12f: {  	v4 =	vadd.s32 $0x1BD11BF0, v4;
	v3 =	vadd.s32 v3, v5;
	v58 =	vor.u32 v56, v57  }
0x130: {  	v7 =	vadd.s32 $0x5, v55;
	v5 =	vor.u32 v45, v59;
	v60 =	vxor.u32 v58, v3  }
0x131: {  	v4 =	vxor.u32 v4, v7;
	v7 =	vshrl.u32 v60, $0x1A;
	v61 =	vshll.u32 v60, $0x6  }
0x132: {  	v5 =	vxor.u32 v5, v2;
	v3 =	vadd.s32 v3, v60;
	v62 =	vor.u32 v7, v61  }
0x133: {  	[tilespmem:s12+$0xFFFFFFF0] =	vst v1;
	s30 =	sadd.s32 $0x20, s10;
	v1 =	vadd.s32 $0x1BD11BF0, v2;
	v2 =	vadd.s32 $0x5, v5;
	v63 =	vxor.u32 v62, v3  }
0x134: {  	s9 =	sadd.s32 $0x1, s9;
	[tilespmem:s30+$0x0] =	vst v4;
	v1 =	vxor.u32 v1, v2;
	v2 =	vadd.s32 $0x1BD11BF0, v3;
	v3 =	vadd.s32 $0x5, v63  }
0x135: {  	s31 =	sshrl.u32 s11, $0x3;
	p0 =	sne.s32 s9, $0x10;
	[tilespmem:s10+$0xFFFFFFF0] =	vst v1;
	v1 =	vxor.u32 v2, v3  }
.Ltmp1:
0x136: {  	s10 =	sadd.s32 s3, s31;
	[tilespmem:s30+$0xFFFFFFF0] =	vst v1;
	(pc) =	sbr.rel @p0 .LBB2_2-.Ltmp1, $4  }
0x137: {  	[hbm4b:s10+s1] =	stream.linear.scatter [tilespmem:s1], [sflag:$0x1], $0x2000, $0x38;
	[tilespmem:$0x2000] =	vst v63  }
0x138: {  	_ =	swait.ge [sflag:s6], $0x2000  }
0x139: {  	[sflag:s6] =	ssyncset.done $0x0  }
0x13a: {  	s8 =	sadd.s32 $0x2000, s8;
	[sflag:s6] =	ssyncadd.s32 $0xFFFFE000  }
0x13b: {  	s7 =	sadd.s32 $0x1, s7  }
0x13c: {  	p0 =	sne.s32 s7, s5  }
.Ltmp2:
0x13d: {  	_ = 	snop;
	(pc) =	sbr.rel @p0 .LBB2_1-.Ltmp2, $1  }
0x13e: {  	_ =	sdelay $0x3  }
0x13f: {  	_ =	sfence.sel $0x180000  }
0x140: {  	[bflag:$0x0] =	sbarrier.arrive $0xFFFF  }
0x141: {  	p0 =	sne.s32 s2, $0x0;
	_ =	strace $0x90000047  }
0x142: {  	s0 =	sadd.s32 @!p0 $0x100000, s0;
	[bflag:$0x2] =	sbarrier.arrive $0xFFFF  }
0x143: {  	[sflag:s0] =	ssyncadd.tile.s32 @!p0 $0x1;
	_ =	shalt  }
.Lfunc_end2:
_tile_overlayer_lowered:
.L_overlay_start_2:
0x144: {  	(tag) =	ssettag $0x2  }
0x145: {  	s0 =	rddreg [dreg:$0x0];
	s2 =	stileid.u32  }
0x146: {  	s1 =	rddreg [dreg:$0x1];
	p0 =	sne.s32 s2, $0x0  }
0x147: {  	s3 =	rddreg [dreg:$0x2];
	[bflag:$0x3] =	sbarrier.arrive $0xFFFF;
	s2 =	simm.s32 @!p0 $0x1C01  }
0x148: {  	[timem:s3], [sflag:s2] =	dma.local @!p0 [hbm:s0], s1  }
0x149: {  	s0 =	simm.s32 @!p0 $0x1  }
0x14a: {  	_ =	swait.ge @!p0 [sflag:s0], s1  }
0x14b: {  	s1 =	ssub.s32 @!p0 $0x0, s1;
	[sflag:s0] =	ssyncset.done @!p0 $0x0  }
0x14c: {  	[sflag:s0] =	ssyncadd.s32 @!p0 s1  }
0x14d: {  	[bflag:$0x3] =	sbarrier.arrive $0xFFFF  }
0x14e: {  	_ =	shalt  }

</sc_bundles>
